<compile_context>
chip_gen: v7x
topology: tpu7x:2x2x1
jax: 0.10.2.dev20260603
libtpu: 0.0.44.dev20260713+nightly
codegen_flags: <defaults>
</compile_context>

<pallas_src>
import functools

import jax
import jax.numpy as jnp
from jax import lax
from jax.experimental import pallas as pl
from jax.experimental.pallas import tpu as pltpu
from jax.experimental.pallas import tpu_sc as plsc

_B = 8
_H = 512
_W = 512
_N = _H * _W
_TOTAL = _B * _N
_NC = 2
_NS = 16
_NW = _NC * _NS
_T_TC = 384
_SC_ROWS = _H - _T_TC
_ROWS_W = _SC_ROWS // (_NW // _B)
_CHUNK_R = 24
_CHUNK_PLAN = []
_off = 0
while _off < _ROWS_W:
    _n = min(_CHUNK_R, _ROWS_W - _off)
    _CHUNK_PLAN.append((_off, _n))
    _off += _n
_UNROLL = 8
_NBANK = 4

_POSITIVE_MULT = 3.0
_POSITIVE_ID = 2
_NEGATIVE_ID = 1


def _sc_reduce_body(x_hbm, y_hbm, m_hbm, out_hbm,
                    xb0, yb0, mb0, xb1, yb1, mb1, ob, sem0, sem1):
    wid = lax.axis_index("s") * _NC + lax.axis_index("c")
    sample = wid // (_NW // _B)
    quarter = wid % (_NW // _B)
    row0 = _T_TC + quarter * _ROWS_W
    xbs, ybs, mbs = (xb0, xb1), (yb0, yb1), (mb0, mb1)
    sems = (sem0, sem1)

    def copies(ci, slot):
        off, n = _CHUNK_PLAN[ci]
        r = row0 + off
        return (
            pltpu.make_async_copy(
                x_hbm.at[sample, pl.ds(r, n)],
                xbs[slot].at[pl.ds(0, n)], sems[slot]),
            pltpu.make_async_copy(
                y_hbm.at[sample, pl.ds(r, n)],
                ybs[slot].at[pl.ds(0, n)], sems[slot]),
            pltpu.make_async_copy(
                m_hbm.at[sample, pl.ds(r, n)],
                mbs[slot].at[pl.ds(0, n)], sems[slot]),
        )

    zero = jnp.zeros((16,), jnp.float32)
    zi = jnp.zeros((16,), jnp.int32)
    acc = tuple([zero, zero, zi, zi] * _NBANK)
    vecs_per_row = _W // 16
    groups_per_row = vecs_per_row // _UNROLL

    def make_vec_body(slot):
        xb, yb, mb = xbs[slot], ybs[slot], mbs[slot]

        def vec_body(vi, a):
            banks = [list(a[4 * b:4 * b + 4]) for b in range(_NBANK)]
            row = vi // groups_per_row
            col = (vi % groups_per_row) * (16 * _UNROLL)
            for u in range(_UNROLL):
                sp, sn, cm, c2 = banks[u % _NBANK]
                oo = col + u * 16
                xv = xb[row, pl.ds(oo, 16)]
                yv = yb[row, pl.ds(oo, 16)]
                mv = mb[row, pl.ds(oo, 16)]
                d = xv - yv
                sl = d * d
                banks[u % _NBANK] = [
                    sp + jnp.where(mv == _POSITIVE_ID, sl, zero),
                    sn + jnp.where(mv == _NEGATIVE_ID, sl, zero),
                    cm + mv,
                    c2 + mv * mv,
                ]
            return tuple(v for b in banks for v in b)

        return vec_body

    for c in copies(0, 0):
        c.start()
    for ci in range(len(_CHUNK_PLAN)):
        slot = ci % 2
        if ci + 1 < len(_CHUNK_PLAN):
            for c in copies(ci + 1, 1 - slot):
                c.start()
        for c in copies(ci, slot):
            c.wait()
        nvec = _CHUNK_PLAN[ci][1] * (_W // 16) // _UNROLL
        acc = plsc.parallel_loop(0, nvec, 1, unroll=2, carry=acc)(
            make_vec_body(slot))

    banks = [acc[4 * b:4 * b + 4] for b in range(_NBANK)]
    sp = sn = None
    cm = c2 = None
    for b in banks:
        sp = b[0] if sp is None else sp + b[0]
        sn = b[1] if sn is None else sn + b[1]
        cm = b[2] if cm is None else cm + b[2]
        c2 = b[3] if c2 is None else c2 + b[3]
    ob[0] = sp
    ob[1] = sn
    ob[2] = cm.astype(jnp.float32)
    ob[3] = c2.astype(jnp.float32)
    pltpu.sync_copy(ob, out_hbm.at[wid])


@functools.lru_cache(maxsize=None)
def _sc_reduce_kernel():
    return functools.partial(
        pl.kernel,
        mesh=plsc.VectorSubcoreMesh(core_axis_name="c", subcore_axis_name="s"),
        out_type=jax.ShapeDtypeStruct((_NW, 4, 16), jnp.float32),
        scratch_types=[
            pltpu.VMEM((_CHUNK_R, _W), jnp.float32),
            pltpu.VMEM((_CHUNK_R, _W), jnp.float32),
            pltpu.VMEM((_CHUNK_R, _W), jnp.int32),
            pltpu.VMEM((_CHUNK_R, _W), jnp.float32),
            pltpu.VMEM((_CHUNK_R, _W), jnp.float32),
            pltpu.VMEM((_CHUNK_R, _W), jnp.int32),
            pltpu.VMEM((4, 16), jnp.float32),
            pltpu.SemaphoreType.DMA,
            pltpu.SemaphoreType.DMA,
        ],
    )(_sc_reduce_body)


def _sc_reduce(x, y, m):
    return _sc_reduce_kernel()(x, y, m)


def _tc_reduce_body(x_ref, y_ref, m_ref, out_ref):
    xv = x_ref[...]
    yv = y_ref[...]
    mv = m_ref[...]
    d = xv - yv
    sl = d * d
    slp = jnp.where(mv == _POSITIVE_ID, sl, 0.0)
    sln = jnp.where(mv == _NEGATIVE_ID, sl, 0.0)
    sp = jnp.sum(slp, axis=1)
    sn = jnp.sum(sln, axis=1)
    cmf = jnp.sum(mv, axis=1).astype(jnp.float32)
    c2f = jnp.sum(mv * mv, axis=1).astype(jnp.float32)
    out_ref[...] = jnp.stack([sp, sn, cmf, c2f], axis=1)


def _tc_reduce(x, y, m):
    return pl.pallas_call(
        _tc_reduce_body,
        grid=(_B // 2,),
        in_specs=[
            pl.BlockSpec((2, _T_TC, _W), lambda i: (i, 0, 0)),
            pl.BlockSpec((2, _T_TC, _W), lambda i: (i, 0, 0)),
            pl.BlockSpec((2, _T_TC, _W), lambda i: (i, 0, 0)),
        ],
        out_specs=pl.BlockSpec((2, 4, _W), lambda i: (i, 0, 0)),
        out_shape=jax.ShapeDtypeStruct((_B, 4, _W), jnp.float32),
    )(x, y, m)


def _finalize_body(sc_ref, tc_ref, loss_ref, needs_ref, stats_ref):
    scp = sc_ref[...].reshape(_B, _NW // _B, 4, 16)
    stats = (jnp.sum(jnp.sum(scp, axis=3), axis=1)
             + jnp.sum(tc_ref[...], axis=2))
    sp = stats[:, 0:1]
    sn = stats[:, 1:2]
    cm = stats[:, 2:3]
    c2 = stats[:, 3:4]
    c_pos = (c2 - cm) * 0.5
    c_neg = 2.0 * cm - c2
    npos = c_pos.astype(jnp.int32)
    nneg = c_neg.astype(jnp.int32)
    k = (c_pos * _POSITIVE_MULT).astype(jnp.int32)
    cond = (k + npos >= npos + nneg) | (k <= 10)
    nz_loss = (sp + sn) / (c_pos + c_neg)
    loss_ref[...] = jnp.sum(nz_loss, axis=0, keepdims=True) * (1.0 / _B)
    needs_ref[...] = jnp.sum((~cond).astype(jnp.int32), axis=0, keepdims=True)
    stats_ref[...] = stats


def _finalize(sc_parts, tc_parts):
    return pl.pallas_call(
        _finalize_body,
        out_shape=(
            jax.ShapeDtypeStruct((1, 1), jnp.float32),
            jax.ShapeDtypeStruct((1, 1), jnp.int32),
            jax.ShapeDtypeStruct((_B, 4), jnp.float32),
        ),
    )(sc_parts, tc_parts)


def _topk_body(x_ref, y_ref, m_ref, out_ref):
    xv = x_ref[0]
    yv = y_ref[0]
    mv = m_ref[0]
    d = xv - yv
    sl = d * d
    bits = lax.bitcast_convert_type(sl, jnp.int32)
    negm = mv == _NEGATIVE_ID
    mbits = jnp.where(negm, bits, -1)
    npos = jnp.sum((mv == _POSITIVE_ID).astype(jnp.int32))
    k = (npos.astype(jnp.float32) * _POSITIVE_MULT).astype(jnp.int32)

    def bit_body(j, prefix):
        cand = prefix | (jnp.int32(1) << (30 - j))
        c = jnp.sum((mbits >= cand).astype(jnp.int32))
        return jnp.where(c >= k, cand, prefix)

    t = lax.fori_loop(0, 31, bit_body, jnp.int32(0))
    gt = mbits > t
    c_gt = jnp.sum(gt.astype(jnp.int32))
    s_gt = jnp.sum(jnp.where(gt, sl, 0.0))
    tval = lax.bitcast_convert_type(t, jnp.float32)
    nt_sum = s_gt + (k - c_gt).astype(jnp.float32) * tval
    out_ref[...] = jnp.full((1, 1, 128), nt_sum, dtype=jnp.float32)


def _topk_sums(x, y, m):
    out = pl.pallas_call(
        _topk_body,
        grid=(_B,),
        in_specs=[
            pl.BlockSpec((1, _H, _W), lambda i: (i, 0, 0)),
            pl.BlockSpec((1, _H, _W), lambda i: (i, 0, 0)),
            pl.BlockSpec((1, _H, _W), lambda i: (i, 0, 0)),
        ],
        out_specs=pl.BlockSpec((1, 1, 128), lambda i: (i, 0, 0)),
        out_shape=jax.ShapeDtypeStruct((_B, 1, 128), jnp.float32),
    )(x, y, m)
    return out[:, 0, 0]


def kernel(x, y, idmask):
    sc_parts = _sc_reduce(x, y, idmask)
    tc_parts = _tc_reduce(x, y, idmask)
    loss_nz, needs, stats = _finalize(sc_parts, tc_parts)

    def _heavy():
        s_pos, s_neg, cm, cm2 = (
            stats[:, 0], stats[:, 1], stats[:, 2], stats[:, 3])
        c_pos = (cm2 - cm) * 0.5
        c_neg = 2.0 * cm - cm2
        npos = c_pos.astype(jnp.int32)
        nneg = c_neg.astype(jnp.int32)
        k = (npos.astype(jnp.float32) * _POSITIVE_MULT).astype(jnp.int32)
        num_all = npos + nneg
        nz_loss = (s_pos + s_neg) / (c_pos + c_neg)
        pl_mean = s_pos / c_pos
        cond = (k + npos >= num_all) | (k <= 10)
        nt_mean = _topk_sums(x, y, idmask) / k.astype(jnp.float32)
        loss = jnp.where(cond, nz_loss, pl_mean + nt_mean)
        return jnp.mean(loss)

    return lax.cond(needs[0, 0] != 0, _heavy, lambda: loss_nz[0, 0])

# --- scband reference (transcript-rebuilt; emitter-appended) ---
"""Pipeline reference for scband-mask-mse-loss-25658134626814 (READ-ONLY COPY).

The authoritative reference and input builder live on the scoring server;
editing this copy changes nothing except your own understanding.
"""

import jax, jax.numpy as jnp
import numpy as np

POSITIVE_MULT = 3.0
POSITIVE_ID = 2
NEGATIVE_ID = 1
IGNORE_ID = 0


def setup_inputs(seed: int = 0):
    key = jax.random.key(seed)
    k1, k2, k3 = jax.random.split(key, 3)
    x = jax.random.normal(k1, (8, 512, 512), dtype=jnp.float32)
    y = jax.random.normal(k2, (8, 512, 512), dtype=jnp.float32)
    idmask = jax.random.randint(k3, (8, 512, 512), 0, 3, dtype=jnp.int32)
    return {"x": x, "y": y, "idmask": idmask}


def reference(x, y, idmask):
    B = x.shape[0]
    xf = x.reshape(B, -1)
    yf = y.reshape(B, -1)
    mf = idmask.reshape(B, -1)
    N = mf.shape[1]
    losses = []
    for i in range(B):
        mi = mf[i]
        pos_mask = mi == POSITIVE_ID
        neg_mask = mi == NEGATIVE_ID
        nz_mask = mi != IGNORE_ID
        npos = jnp.sum(pos_mask)
        nneg = jnp.sum(neg_mask)
        sl = (xf[i] - yf[i]) ** 2
        k = (npos.astype(jnp.float32) * POSITIVE_MULT).astype(jnp.int32)
        num_all = npos + nneg
        nz_loss = jnp.sum(jnp.where(nz_mask, sl, 0.0)) / jnp.sum(nz_mask)
        pl_mean = jnp.sum(jnp.where(pos_mask, sl, 0.0)) / npos
        neg_sorted = -jnp.sort(-jnp.where(neg_mask, sl, -1.0))
        neg_vals = jnp.where(neg_sorted >= 0.0, neg_sorted, 0.0)
        csum = jnp.cumsum(neg_vals)
        k_idx = jnp.clip(k - 1, 0, N - 1)
        nt_mean = csum[k_idx] / k
        topk_loss = pl_mean + nt_mean
        cond = (k + npos >= num_all) | (k <= 10)
        loss = jnp.where(cond, nz_loss, topk_loss)
        losses.append(loss)
    return jnp.mean(jnp.stack(losses))

if __name__ == "__main__":
    import jax
    _d = setup_inputs()
    print(jax.jit(kernel)(*tuple(_d.values())))

</pallas_src>

<mosaic_0001>
#map = affine_map<(d0, d1) -> (0, 0, 0)>
module attributes {stable_mosaic.version = 14 : i64} {
  func.func @_sc_reduce_body(%arg0: i32, %arg1: i32, %arg2: memref<8x512x512xf32, #tpu.memory_space<hbm>>, %arg3: memref<8x512x512xf32, #tpu.memory_space<hbm>>, %arg4: memref<8x512x512xi32, #tpu.memory_space<hbm>>, %arg5: memref<32x4x16xf32, #tpu.memory_space<hbm>>, %arg6: memref<24x512xf32, #tpu.memory_space<vmem>>, %arg7: memref<24x512xf32, #tpu.memory_space<vmem>>, %arg8: memref<24x512xi32, #tpu.memory_space<vmem>>, %arg9: memref<24x512xf32, #tpu.memory_space<vmem>>, %arg10: memref<24x512xf32, #tpu.memory_space<vmem>>, %arg11: memref<24x512xi32, #tpu.memory_space<vmem>>, %arg12: memref<4x16xf32, #tpu.memory_space<vmem>>, %arg13: memref<!tpu.dma_semaphore, #tpu.memory_space<semaphore_mem>>, %arg14: memref<!tpu.dma_semaphore, #tpu.memory_space<semaphore_mem>>) attributes {dimension_semantics = [#tpu.dimension_semantics<core_parallel>, #tpu.dimension_semantics<subcore_parallel>], iteration_bounds = array<i64: 2, 16>, scalar_prefetch = 0 : i64, scratch_operands = 9 : i64, tpu.core_type = #tpu.core_type<sc_vector_subcore>, window_params = [{transform_indices = #map}, {transform_indices = #map}, {transform_indices = #map}, {transform_indices = #map}]} {
    %mul3A = arith.constant 2 : i32
    %mul3A_0 = arith.muli %arg1, %mul3A : i32
    %add3A = arith.addi %mul3A_0, %arg0 : i32
    %jit3A = arith.constant 4 : i32
    %div3A = arith.divsi %add3A, %jit3A : i32
    %sign3A = arith.constant 0 : i32
    %sign3A_1 = arith.cmpi sgt, %add3A, %sign3A : i32
    %sign3A_2 = arith.extui %sign3A_1 : i1 to i32
    %sign3A_3 = arith.constant 0 : i32
    %sign3A_4 = arith.cmpi slt, %add3A, %sign3A_3 : i32
    %sign3A_5 = arith.extui %sign3A_4 : i1 to i32
    %sign3A_6 = arith.subi %sign3A_2, %sign3A_5 : i32
    %sign3A_7 = arith.constant 0 : i32
    %sign3A_8 = arith.cmpi sgt, %jit3A, %sign3A_7 : i32
    %sign3A_9 = arith.extui %sign3A_8 : i1 to i32
    %sign3A_10 = arith.constant 0 : i32
    %sign3A_11 = arith.cmpi slt, %jit3A, %sign3A_10 : i32
    %sign3A_12 = arith.extui %sign3A_11 : i1 to i32
    %sign3A_13 = arith.subi %sign3A_9, %sign3A_12 : i32
    %ne3A = arith.cmpi ne, %sign3A_6, %sign3A_13 : i32
    %rem3A = arith.remsi %add3A, %jit3A : i32
    %ne3A_14 = arith.constant 0 : i32
    %ne3A_15 = arith.cmpi ne, %rem3A, %ne3A_14 : i32
    %and3A = arith.andi %ne3A, %ne3A_15 : i1
    %sub3A = arith.constant 1 : i32
    %sub3A_16 = arith.subi %div3A, %sub3A : i32
    %select_n3A = arith.select %and3A, %sub3A_16, %div3A : i32
    %jit3A_17 = arith.constant 4 : i32
    %eq3A = arith.constant 0 : i32
    %eq3A_18 = arith.cmpi eq, %jit3A_17, %eq3A : i32
    %jit3A_19 = arith.constant 1 : i32
    %select_n3A_20 = arith.select %eq3A_18, %jit3A_19, %jit3A_17 : i32
    %rem3A_21 = arith.remsi %add3A, %select_n3A_20 : i32
    %ne3A_22 = arith.constant 0 : i32
    %ne3A_23 = arith.cmpi ne, %rem3A_21, %ne3A_22 : i32
    %lt3A = arith.constant 0 : i32
    %lt3A_24 = arith.cmpi slt, %rem3A_21, %lt3A : i32
    %lt3A_25 = arith.constant 0 : i32
    %lt3A_26 = arith.cmpi slt, %select_n3A_20, %lt3A_25 : i32
    %ne3A_27 = arith.xori %lt3A_24, %lt3A_26 : i1
    %and3A_28 = arith.andi %ne3A_27, %ne3A_23 : i1
    %add3A_29 = arith.addi %rem3A_21, %select_n3A_20 : i32
    %select_n3A_30 = arith.select %and3A_28, %add3A_29, %rem3A_21 : i32
    %mul3A_31 = arith.constant 32 : i32
    %mul3A_32 = arith.muli %select_n3A_30, %mul3A_31 : i32
    %add3A_33 = arith.constant 384 : i32
    %add3A_34 = arith.addi %add3A_33, %mul3A_32 : i32
    %broadcast_in_dim3A = arith.constant 0.000000e+00 : f32
    %broadcast_in_dim3A_35 = vector.broadcast %broadcast_in_dim3A : f32 to vector<16xf32>
    %broadcast_in_dim3A_36 = arith.constant 0 : i32
    %broadcast_in_dim3A_37 = vector.broadcast %broadcast_in_dim3A_36 : i32 to vector<16xi32>
    %add3A_38 = arith.constant 0 : i32
    %add3A_39 = arith.addi %add3A_34, %add3A_38 : i32
    %dma_start3A = arith.constant 0 : i32
    %dma_start3A_40 = arith.constant 0 : i32
    %dma_start3A_41 = tpu.memref_slice %arg6[%dma_start3A, %dma_start3A_40] : memref<24x512xf32, #tpu.memory_space<vmem>> -> memref<24x512xf32, #tpu.memory_space<vmem>>
    %dma_start3A_42 = arith.constant 0 : i32
    %dma_start3A_43 = tpu.memref_slice %arg2[%select_n3A, %add3A_39, %dma_start3A_42] : memref<8x512x512xf32, #tpu.memory_space<hbm>> -> memref<1x24x512xf32, #tpu.memory_space<hbm>>
    %dma_start3A_44 = tpu.memref_squeeze %dma_start3A_43 : memref<1x24x512xf32, #tpu.memory_space<hbm>> -> memref<24x512xf32, #tpu.memory_space<hbm>>
    %dma_start3A_45 = arith.constant 0 : i32
    %dma_start3A_46 = arith.constant 0 : i32
    %dma_start3A_47 = tpu.memref_slice %arg6[%dma_start3A_45, %dma_start3A_46] : memref<24x512xf32, #tpu.memory_space<vmem>> -> memref<24x512xf32, #tpu.memory_space<vmem>>
    %dma_start3A_48 = arith.constant 0 : i32
    %dma_start3A_49 = tpu.memref_slice %arg2[%select_n3A, %add3A_39, %dma_start3A_48] : memref<8x512x512xf32, #tpu.memory_space<hbm>> -> memref<1x24x512xf32, #tpu.memory_space<hbm>>
    %dma_start3A_50 = tpu.memref_squeeze %dma_start3A_49 : memref<1x24x512xf32, #tpu.memory_space<hbm>> -> memref<24x512xf32, #tpu.memory_space<hbm>>
    tpu.enqueue_dma source(%dma_start3A_50 : memref<24x512xf32, #tpu.memory_space<hbm>>) target(%dma_start3A_47 : memref<24x512xf32, #tpu.memory_space<vmem>>) target_semaphore(%arg13 : memref<!tpu.dma_semaphore, #tpu.memory_space<semaphore_mem>>)
    %dma_start3A_51 = arith.constant 0 : i32
    %dma_start3A_52 = arith.constant 0 : i32
    %dma_start3A_53 = tpu.memref_slice %arg7[%dma_start3A_51, %dma_start3A_52] : memref<24x512xf32, #tpu.memory_space<vmem>> -> memref<24x512xf32, #tpu.memory_space<vmem>>
    %dma_start3A_54 = arith.constant 0 : i32
    %dma_start3A_55 = tpu.memref_slice %arg3[%select_n3A, %add3A_39, %dma_start3A_54] : memref<8x512x512xf32, #tpu.memory_space<hbm>> -> memref<1x24x512xf32, #tpu.memory_space<hbm>>
    %dma_start3A_56 = tpu.memref_squeeze %dma_start3A_55 : memref<1x24x512xf32, #tpu.memory_space<hbm>> -> memref<24x512xf32, #tpu.memory_space<hbm>>
    %dma_start3A_57 = arith.constant 0 : i32
    %dma_start3A_58 = arith.constant 0 : i32
    %dma_start3A_59 = tpu.memref_slice %arg7[%dma_start3A_57, %dma_start3A_58] : memref<24x512xf32, #tpu.memory_space<vmem>> -> memref<24x512xf32, #tpu.memory_space<vmem>>
    %dma_start3A_60 = arith.constant 0 : i32
    %dma_start3A_61 = tpu.memref_slice %arg3[%select_n3A, %add3A_39, %dma_start3A_60] : memref<8x512x512xf32, #tpu.memory_space<hbm>> -> memref<1x24x512xf32, #tpu.memory_space<hbm>>
    %dma_start3A_62 = tpu.memref_squeeze %dma_start3A_61 : memref<1x24x512xf32, #tpu.memory_space<hbm>> -> memref<24x512xf32, #tpu.memory_space<hbm>>
    tpu.enqueue_dma source(%dma_start3A_62 : memref<24x512xf32, #tpu.memory_space<hbm>>) target(%dma_start3A_59 : memref<24x512xf32, #tpu.memory_space<vmem>>) target_semaphore(%arg13 : memref<!tpu.dma_semaphore, #tpu.memory_space<semaphore_mem>>)
    %dma_start3A_63 = arith.constant 0 : i32
    %dma_start3A_64 = arith.constant 0 : i32
    %dma_start3A_65 = tpu.memref_slice %arg8[%dma_start3A_63, %dma_start3A_64] : memref<24x512xi32, #tpu.memory_space<vmem>> -> memref<24x512xi32, #tpu.memory_space<vmem>>
    %dma_start3A_66 = arith.constant 0 : i32
    %dma_start3A_67 = tpu.memref_slice %arg4[%select_n3A, %add3A_39, %dma_start3A_66] : memref<8x512x512xi32, #tpu.memory_space<hbm>> -> memref<1x24x512xi32, #tpu.memory_space<hbm>>
    %dma_start3A_68 = tpu.memref_squeeze %dma_start3A_67 : memref<1x24x512xi32, #tpu.memory_space<hbm>> -> memref<24x512xi32, #tpu.memory_space<hbm>>
    %dma_start3A_69 = arith.constant 0 : i32
    %dma_start3A_70 = arith.constant 0 : i32
    %dma_start3A_71 = tpu.memref_slice %arg8[%dma_start3A_69, %dma_start3A_70] : memref<24x512xi32, #tpu.memory_space<vmem>> -> memref<24x512xi32, #tpu.memory_space<vmem>>
    %dma_start3A_72 = arith.constant 0 : i32
    %dma_start3A_73 = tpu.memref_slice %arg4[%select_n3A, %add3A_39, %dma_start3A_72] : memref<8x512x512xi32, #tpu.memory_space<hbm>> -> memref<1x24x512xi32, #tpu.memory_space<hbm>>
    %dma_start3A_74 = tpu.memref_squeeze %dma_start3A_73 : memref<1x24x512xi32, #tpu.memory_space<hbm>> -> memref<24x512xi32, #tpu.memory_space<hbm>>
    tpu.enqueue_dma source(%dma_start3A_74 : memref<24x512xi32, #tpu.memory_space<hbm>>) target(%dma_start3A_71 : memref<24x512xi32, #tpu.memory_space<vmem>>) target_semaphore(%arg13 : memref<!tpu.dma_semaphore, #tpu.memory_space<semaphore_mem>>)
    %add3A_75 = arith.constant 24 : i32
    %add3A_76 = arith.addi %add3A_34, %add3A_75 : i32
    %dma_start3A_77 = arith.constant 0 : i32
    %dma_start3A_78 = arith.constant 0 : i32
    %dma_start3A_79 = tpu.memref_slice %arg9[%dma_start3A_77, %dma_start3A_78] : memref<24x512xf32, #tpu.memory_space<vmem>> -> memref<8x512xf32, #tpu.memory_space<vmem>>
    %dma_start3A_80 = arith.constant 0 : i32
    %dma_start3A_81 = tpu.memref_slice %arg2[%select_n3A, %add3A_76, %dma_start3A_80] : memref<8x512x512xf32, #tpu.memory_space<hbm>> -> memref<1x8x512xf32, #tpu.memory_space<hbm>>
    %dma_start3A_82 = tpu.memref_squeeze %dma_start3A_81 : memref<1x8x512xf32, #tpu.memory_space<hbm>> -> memref<8x512xf32, #tpu.memory_space<hbm>>
    %dma_start3A_83 = arith.constant 0 : i32
    %dma_start3A_84 = arith.constant 0 : i32
    %dma_start3A_85 = tpu.memref_slice %arg9[%dma_start3A_83, %dma_start3A_84] : memref<24x512xf32, #tpu.memory_space<vmem>> -> memref<8x512xf32, #tpu.memory_space<vmem>>
    %dma_start3A_86 = arith.constant 0 : i32
    %dma_start3A_87 = tpu.memref_slice %arg2[%select_n3A, %add3A_76, %dma_start3A_86] : memref<8x512x512xf32, #tpu.memory_space<hbm>> -> memref<1x8x512xf32, #tpu.memory_space<hbm>>
    %dma_start3A_88 = tpu.memref_squeeze %dma_start3A_87 : memref<1x8x512xf32, #tpu.memory_space<hbm>> -> memref<8x512xf32, #tpu.memory_space<hbm>>
    tpu.enqueue_dma source(%dma_start3A_88 : memref<8x512xf32, #tpu.memory_space<hbm>>) target(%dma_start3A_85 : memref<8x512xf32, #tpu.memory_space<vmem>>) target_semaphore(%arg14 : memref<!tpu.dma_semaphore, #tpu.memory_space<semaphore_mem>>)
    %dma_start3A_89 = arith.constant 0 : i32
    %dma_start3A_90 = arith.constant 0 : i32
    %dma_start3A_91 = tpu.memref_slice %arg10[%dma_start3A_89, %dma_start3A_90] : memref<24x512xf32, #tpu.memory_space<vmem>> -> memref<8x512xf32, #tpu.memory_space<vmem>>
    %dma_start3A_92 = arith.constant 0 : i32
    %dma_start3A_93 = tpu.memref_slice %arg3[%select_n3A, %add3A_76, %dma_start3A_92] : memref<8x512x512xf32, #tpu.memory_space<hbm>> -> memref<1x8x512xf32, #tpu.memory_space<hbm>>
    %dma_start3A_94 = tpu.memref_squeeze %dma_start3A_93 : memref<1x8x512xf32, #tpu.memory_space<hbm>> -> memref<8x512xf32, #tpu.memory_space<hbm>>
    %dma_start3A_95 = arith.constant 0 : i32
    %dma_start3A_96 = arith.constant 0 : i32
    %dma_start3A_97 = tpu.memref_slice %arg10[%dma_start3A_95, %dma_start3A_96] : memref<24x512xf32, #tpu.memory_space<vmem>> -> memref<8x512xf32, #tpu.memory_space<vmem>>
    %dma_start3A_98 = arith.constant 0 : i32
    %dma_start3A_99 = tpu.memref_slice %arg3[%select_n3A, %add3A_76, %dma_start3A_98] : memref<8x512x512xf32, #tpu.memory_space<hbm>> -> memref<1x8x512xf32, #tpu.memory_space<hbm>>
    %dma_start3A_100 = tpu.memref_squeeze %dma_start3A_99 : memref<1x8x512xf32, #tpu.memory_space<hbm>> -> memref<8x512xf32, #tpu.memory_space<hbm>>
    tpu.enqueue_dma source(%dma_start3A_100 : memref<8x512xf32, #tpu.memory_space<hbm>>) target(%dma_start3A_97 : memref<8x512xf32, #tpu.memory_space<vmem>>) target_semaphore(%arg14 : memref<!tpu.dma_semaphore, #tpu.memory_space<semaphore_mem>>)
    %dma_start3A_101 = arith.constant 0 : i32
    %dma_start3A_102 = arith.constant 0 : i32
    %dma_start3A_103 = tpu.memref_slice %arg11[%dma_start3A_101, %dma_start3A_102] : memref<24x512xi32, #tpu.memory_space<vmem>> -> memref<8x512xi32, #tpu.memory_space<vmem>>
    %dma_start3A_104 = arith.constant 0 : i32
    %dma_start3A_105 = tpu.memref_slice %arg4[%select_n3A, %add3A_76, %dma_start3A_104] : memref<8x512x512xi32, #tpu.memory_space<hbm>> -> memref<1x8x512xi32, #tpu.memory_space<hbm>>
    %dma_start3A_106 = tpu.memref_squeeze %dma_start3A_105 : memref<1x8x512xi32, #tpu.memory_space<hbm>> -> memref<8x512xi32, #tpu.memory_space<hbm>>
    %dma_start3A_107 = arith.constant 0 : i32
    %dma_start3A_108 = arith.constant 0 : i32
    %dma_start3A_109 = tpu.memref_slice %arg11[%dma_start3A_107, %dma_start3A_108] : memref<24x512xi32, #tpu.memory_space<vmem>> -> memref<8x512xi32, #tpu.memory_space<vmem>>
    %dma_start3A_110 = arith.constant 0 : i32
    %dma_start3A_111 = tpu.memref_slice %arg4[%select_n3A, %add3A_76, %dma_start3A_110] : memref<8x512x512xi32, #tpu.memory_space<hbm>> -> memref<1x8x512xi32, #tpu.memory_space<hbm>>
    %dma_start3A_112 = tpu.memref_squeeze %dma_start3A_111 : memref<1x8x512xi32, #tpu.memory_space<hbm>> -> memref<8x512xi32, #tpu.memory_space<hbm>>
    tpu.enqueue_dma source(%dma_start3A_112 : memref<8x512xi32, #tpu.memory_space<hbm>>) target(%dma_start3A_109 : memref<8x512xi32, #tpu.memory_space<vmem>>) target_semaphore(%arg14 : memref<!tpu.dma_semaphore, #tpu.memory_space<semaphore_mem>>)
    %add3A_113 = arith.constant 0 : i32
    %add3A_114 = arith.addi %add3A_34, %add3A_113 : i32
    %dma_wait3A = arith.constant 0 : i32
    %dma_wait3A_115 = arith.constant 0 : i32
    %dma_wait3A_116 = tpu.memref_slice %arg6[%dma_wait3A, %dma_wait3A_115] : memref<24x512xf32, #tpu.memory_space<vmem>> -> memref<24x512xf32, #tpu.memory_space<vmem>>
    %dma_wait3A_117 = arith.constant 0 : i32
    %dma_wait3A_118 = tpu.memref_slice %arg2[%select_n3A, %add3A_114, %dma_wait3A_117] : memref<8x512x512xf32, #tpu.memory_space<hbm>> -> memref<1x24x512xf32, #tpu.memory_space<hbm>>
    %dma_wait3A_119 = tpu.memref_squeeze %dma_wait3A_118 : memref<1x24x512xf32, #tpu.memory_space<hbm>> -> memref<24x512xf32, #tpu.memory_space<hbm>>
    %dma_wait3A_120 = arith.constant 0 : i32
    %dma_wait3A_121 = arith.constant 0 : i32
    %dma_wait3A_122 = tpu.memref_slice %arg6[%dma_wait3A_120, %dma_wait3A_121] : memref<24x512xf32, #tpu.memory_space<vmem>> -> memref<24x512xf32, #tpu.memory_space<vmem>>
    %dma_wait3A_123 = arith.constant 0 : i32
    %dma_wait3A_124 = tpu.memref_slice %arg2[%select_n3A, %add3A_114, %dma_wait3A_123] : memref<8x512x512xf32, #tpu.memory_space<hbm>> -> memref<1x24x512xf32, #tpu.memory_space<hbm>>
    %dma_wait3A_125 = tpu.memref_squeeze %dma_wait3A_124 : memref<1x24x512xf32, #tpu.memory_space<hbm>> -> memref<24x512xf32, #tpu.memory_space<hbm>>
    tpu.wait_dma2 semaphore(%arg13 : memref<!tpu.dma_semaphore, #tpu.memory_space<semaphore_mem>>) src(%dma_wait3A_125 : memref<24x512xf32, #tpu.memory_space<hbm>>) dst(%dma_wait3A_122 : memref<24x512xf32, #tpu.memory_space<vmem>>)
    %dma_wait3A_126 = arith.constant 0 : i32
    %dma_wait3A_127 = arith.constant 0 : i32
    %dma_wait3A_128 = tpu.memref_slice %arg7[%dma_wait3A_126, %dma_wait3A_127] : memref<24x512xf32, #tpu.memory_space<vmem>> -> memref<24x512xf32, #tpu.memory_space<vmem>>
    %dma_wait3A_129 = arith.constant 0 : i32
    %dma_wait3A_130 = tpu.memref_slice %arg3[%select_n3A, %add3A_114, %dma_wait3A_129] : memref<8x512x512xf32, #tpu.memory_space<hbm>> -> memref<1x24x512xf32, #tpu.memory_space<hbm>>
    %dma_wait3A_131 = tpu.memref_squeeze %dma_wait3A_130 : memref<1x24x512xf32, #tpu.memory_space<hbm>> -> memref<24x512xf32, #tpu.memory_space<hbm>>
    %dma_wait3A_132 = arith.constant 0 : i32
    %dma_wait3A_133 = arith.constant 0 : i32
    %dma_wait3A_134 = tpu.memref_slice %arg7[%dma_wait3A_132, %dma_wait3A_133] : memref<24x512xf32, #tpu.memory_space<vmem>> -> memref<24x512xf32, #tpu.memory_space<vmem>>
    %dma_wait3A_135 = arith.constant 0 : i32
    %dma_wait3A_136 = tpu.memref_slice %arg3[%select_n3A, %add3A_114, %dma_wait3A_135] : memref<8x512x512xf32, #tpu.memory_space<hbm>> -> memref<1x24x512xf32, #tpu.memory_space<hbm>>
    %dma_wait3A_137 = tpu.memref_squeeze %dma_wait3A_136 : memref<1x24x512xf32, #tpu.memory_space<hbm>> -> memref<24x512xf32, #tpu.memory_space<hbm>>
    tpu.wait_dma2 semaphore(%arg13 : memref<!tpu.dma_semaphore, #tpu.memory_space<semaphore_mem>>) src(%dma_wait3A_137 : memref<24x512xf32, #tpu.memory_space<hbm>>) dst(%dma_wait3A_134 : memref<24x512xf32, #tpu.memory_space<vmem>>)
    %dma_wait3A_138 = arith.constant 0 : i32
    %dma_wait3A_139 = arith.constant 0 : i32
    %dma_wait3A_140 = tpu.memref_slice %arg8[%dma_wait3A_138, %dma_wait3A_139] : memref<24x512xi32, #tpu.memory_space<vmem>> -> memref<24x512xi32, #tpu.memory_space<vmem>>
    %dma_wait3A_141 = arith.constant 0 : i32
    %dma_wait3A_142 = tpu.memref_slice %arg4[%select_n3A, %add3A_114, %dma_wait3A_141] : memref<8x512x512xi32, #tpu.memory_space<hbm>> -> memref<1x24x512xi32, #tpu.memory_space<hbm>>
    %dma_wait3A_143 = tpu.memref_squeeze %dma_wait3A_142 : memref<1x24x512xi32, #tpu.memory_space<hbm>> -> memref<24x512xi32, #tpu.memory_space<hbm>>
    %dma_wait3A_144 = arith.constant 0 : i32
    %dma_wait3A_145 = arith.constant 0 : i32
    %dma_wait3A_146 = tpu.memref_slice %arg8[%dma_wait3A_144, %dma_wait3A_145] : memref<24x512xi32, #tpu.memory_space<vmem>> -> memref<24x512xi32, #tpu.memory_space<vmem>>
    %dma_wait3A_147 = arith.constant 0 : i32
    %dma_wait3A_148 = tpu.memref_slice %arg4[%select_n3A, %add3A_114, %dma_wait3A_147] : memref<8x512x512xi32, #tpu.memory_space<hbm>> -> memref<1x24x512xi32, #tpu.memory_space<hbm>>
    %dma_wait3A_149 = tpu.memref_squeeze %dma_wait3A_148 : memref<1x24x512xi32, #tpu.memory_space<hbm>> -> memref<24x512xi32, #tpu.memory_space<hbm>>
    tpu.wait_dma2 semaphore(%arg13 : memref<!tpu.dma_semaphore, #tpu.memory_space<semaphore_mem>>) src(%dma_wait3A_149 : memref<24x512xi32, #tpu.memory_space<hbm>>) dst(%dma_wait3A_146 : memref<24x512xi32, #tpu.memory_space<vmem>>)
    %parallel_loop3A = arith.constant 0 : i32
    %parallel_loop3A_150 = arith.constant 96 : i32
    %parallel_loop3A_151 = arith.constant 1 : i32
    %parallel_loop3A_152:16 = scf.for %parallel_loop3A_231 = %parallel_loop3A to %parallel_loop3A_150 step %parallel_loop3A_151 iter_args(%parallel_loop3A_232 = %broadcast_in_dim3A_35, %parallel_loop3A_233 = %broadcast_in_dim3A_35, %parallel_loop3A_234 = %broadcast_in_dim3A_37, %parallel_loop3A_235 = %broadcast_in_dim3A_37, %parallel_loop3A_236 = %broadcast_in_dim3A_35, %parallel_loop3A_237 = %broadcast_in_dim3A_35, %parallel_loop3A_238 = %broadcast_in_dim3A_37, %parallel_loop3A_239 = %broadcast_in_dim3A_37, %parallel_loop3A_240 = %broadcast_in_dim3A_35, %parallel_loop3A_241 = %broadcast_in_dim3A_35, %parallel_loop3A_242 = %broadcast_in_dim3A_37, %parallel_loop3A_243 = %broadcast_in_dim3A_37, %parallel_loop3A_244 = %broadcast_in_dim3A_35, %parallel_loop3A_245 = %broadcast_in_dim3A_35, %parallel_loop3A_246 = %broadcast_in_dim3A_37, %parallel_loop3A_247 = %broadcast_in_dim3A_37) -> (vector<16xf32>, vector<16xf32>, vector<16xi32>, vector<16xi32>, vector<16xf32>, vector<16xf32>, vector<16xi32>, vector<16xi32>, vector<16xf32>, vector<16xf32>, vector<16xi32>, vector<16xi32>, vector<16xf32>, vector<16xf32>, vector<16xi32>, vector<16xi32>)  : i32 {
      %parallel_loop3A_248 = arith.constant 4 : i32
      %parallel_loop3A_249 = arith.divsi %parallel_loop3A_231, %parallel_loop3A_248 : i32
      %parallel_loop3A_250 = arith.constant 0 : i32
      %parallel_loop3A_251 = arith.cmpi sgt, %parallel_loop3A_231, %parallel_loop3A_250 : i32
      %parallel_loop3A_252 = arith.extui %parallel_loop3A_251 : i1 to i32
      %parallel_loop3A_253 = arith.constant 0 : i32
      %parallel_loop3A_254 = arith.cmpi slt, %parallel_loop3A_231, %parallel_loop3A_253 : i32
      %parallel_loop3A_255 = arith.extui %parallel_loop3A_254 : i1 to i32
      %parallel_loop3A_256 = arith.subi %parallel_loop3A_252, %parallel_loop3A_255 : i32
      %parallel_loop3A_257 = arith.constant 0 : i32
      %parallel_loop3A_258 = arith.cmpi sgt, %parallel_loop3A_248, %parallel_loop3A_257 : i32
      %parallel_loop3A_259 = arith.extui %parallel_loop3A_258 : i1 to i32
      %parallel_loop3A_260 = arith.constant 0 : i32
      %parallel_loop3A_261 = arith.cmpi slt, %parallel_loop3A_248, %parallel_loop3A_260 : i32
      %parallel_loop3A_262 = arith.extui %parallel_loop3A_261 : i1 to i32
      %parallel_loop3A_263 = arith.subi %parallel_loop3A_259, %parallel_loop3A_262 : i32
      %parallel_loop3A_264 = arith.cmpi ne, %parallel_loop3A_256, %parallel_loop3A_263 : i32
      %parallel_loop3A_265 = arith.remsi %parallel_loop3A_231, %parallel_loop3A_248 : i32
      %parallel_loop3A_266 = arith.constant 0 : i32
      %parallel_loop3A_267 = arith.cmpi ne, %parallel_loop3A_265, %parallel_loop3A_266 : i32
      %parallel_loop3A_268 = arith.andi %parallel_loop3A_264, %parallel_loop3A_267 : i1
      %parallel_loop3A_269 = arith.constant 1 : i32
      %parallel_loop3A_270 = arith.subi %parallel_loop3A_249, %parallel_loop3A_269 : i32
      %parallel_loop3A_271 = arith.select %parallel_loop3A_268, %parallel_loop3A_270, %parallel_loop3A_249 : i32
      %parallel_loop3A_272 = arith.constant 4 : i32
      %parallel_loop3A_273 = arith.constant 0 : i32
      %parallel_loop3A_274 = arith.cmpi eq, %parallel_loop3A_272, %parallel_loop3A_273 : i32
      %parallel_loop3A_275 = arith.constant 1 : i32
      %parallel_loop3A_276 = arith.select %parallel_loop3A_274, %parallel_loop3A_275, %parallel_loop3A_272 : i32
      %parallel_loop3A_277 = arith.remsi %parallel_loop3A_231, %parallel_loop3A_276 : i32
      %parallel_loop3A_278 = arith.constant 0 : i32
      %parallel_loop3A_279 = arith.cmpi ne, %parallel_loop3A_277, %parallel_loop3A_278 : i32
      %parallel_loop3A_280 = arith.constant 0 : i32
      %parallel_loop3A_281 = arith.cmpi slt, %parallel_loop3A_277, %parallel_loop3A_280 : i32
      %parallel_loop3A_282 = arith.constant 0 : i32
      %parallel_loop3A_283 = arith.cmpi slt, %parallel_loop3A_276, %parallel_loop3A_282 : i32
      %parallel_loop3A_284 = arith.xori %parallel_loop3A_281, %parallel_loop3A_283 : i1
      %parallel_loop3A_285 = arith.andi %parallel_loop3A_284, %parallel_loop3A_279 : i1
      %parallel_loop3A_286 = arith.addi %parallel_loop3A_277, %parallel_loop3A_276 : i32
      %parallel_loop3A_287 = arith.select %parallel_loop3A_285, %parallel_loop3A_286, %parallel_loop3A_277 : i32
      %parallel_loop3A_288 = arith.constant 128 : i32
      %parallel_loop3A_289 = arith.muli %parallel_loop3A_287, %parallel_loop3A_288 : i32
      %parallel_loop3A_290 = arith.constant 0 : i32
      %parallel_loop3A_291 = arith.addi %parallel_loop3A_289, %parallel_loop3A_290 : i32
      %parallel_loop3A_292 = arith.index_cast %parallel_loop3A_271 : i32 to index
      %parallel_loop3A_293 = arith.index_cast %parallel_loop3A_291 : i32 to index
      %parallel_loop3A_294 = tpu.vector_load %arg6[%parallel_loop3A_292, %parallel_loop3A_293] {strides = array<i32>} : memref<24x512xf32, #tpu.memory_space<vmem>>, vector<1x16xf32>,
      %parallel_loop3A_295 = vector.shape_cast %parallel_loop3A_294 : vector<1x16xf32> to vector<16xf32>
      %parallel_loop3A_296 = arith.index_cast %parallel_loop3A_271 : i32 to index
      %parallel_loop3A_297 = arith.index_cast %parallel_loop3A_291 : i32 to index
      %parallel_loop3A_298 = tpu.vector_load %arg7[%parallel_loop3A_296, %parallel_loop3A_297] {strides = array<i32>} : memref<24x512xf32, #tpu.memory_space<vmem>>, vector<1x16xf32>,
      %parallel_loop3A_299 = vector.shape_cast %parallel_loop3A_298 : vector<1x16xf32> to vector<16xf32>
      %parallel_loop3A_300 = arith.index_cast %parallel_loop3A_271 : i32 to index
      %parallel_loop3A_301 = arith.index_cast %parallel_loop3A_291 : i32 to index
      %parallel_loop3A_302 = tpu.vector_load %arg8[%parallel_loop3A_300, %parallel_loop3A_301] {strides = array<i32>} : memref<24x512xi32, #tpu.memory_space<vmem>>, vector<1x16xi32>,
      %parallel_loop3A_303 = vector.shape_cast %parallel_loop3A_302 : vector<1x16xi32> to vector<16xi32>
      %parallel_loop3A_304 = arith.subf %parallel_loop3A_295, %parallel_loop3A_299 : vector<16xf32>
      %parallel_loop3A_305 = arith.mulf %parallel_loop3A_304, %parallel_loop3A_304 : vector<16xf32>
      %parallel_loop3A_306 = arith.constant 2 : i32
      %parallel_loop3A_307 = vector.broadcast %parallel_loop3A_306 : i32 to vector<16xi32>
      %parallel_loop3A_308 = arith.cmpi eq, %parallel_loop3A_303, %parallel_loop3A_307 : vector<16xi32>
      %parallel_loop3A_309 = arith.select %parallel_loop3A_308, %parallel_loop3A_305, %broadcast_in_dim3A_35 : vector<16xi1>, vector<16xf32>
      %parallel_loop3A_310 = arith.addf %parallel_loop3A_232, %parallel_loop3A_309 : vector<16xf32>
      %parallel_loop3A_311 = arith.constant 1 : i32
      %parallel_loop3A_312 = vector.broadcast %parallel_loop3A_311 : i32 to vector<16xi32>
      %parallel_loop3A_313 = arith.cmpi eq, %parallel_loop3A_303, %parallel_loop3A_312 : vector<16xi32>
      %parallel_loop3A_314 = arith.select %parallel_loop3A_313, %parallel_loop3A_305, %broadcast_in_dim3A_35 : vector<16xi1>, vector<16xf32>
      %parallel_loop3A_315 = arith.addf %parallel_loop3A_233, %parallel_loop3A_314 : vector<16xf32>
      %parallel_loop3A_316 = arith.addi %parallel_loop3A_234, %parallel_loop3A_303 : vector<16xi32>
      %parallel_loop3A_317 = arith.muli %parallel_loop3A_303, %parallel_loop3A_303 : vector<16xi32>
      %parallel_loop3A_318 = arith.addi %parallel_loop3A_235, %parallel_loop3A_317 : vector<16xi32>
      %parallel_loop3A_319 = arith.constant 16 : i32
      %parallel_loop3A_320 = arith.addi %parallel_loop3A_289, %parallel_loop3A_319 : i32
      %parallel_loop3A_321 = arith.index_cast %parallel_loop3A_271 : i32 to index
      %parallel_loop3A_322 = arith.index_cast %parallel_loop3A_320 : i32 to index
      %parallel_loop3A_323 = tpu.vector_load %arg6[%parallel_loop3A_321, %parallel_loop3A_322] {strides = array<i32>} : memref<24x512xf32, #tpu.memory_space<vmem>>, vector<1x16xf32>,
      %parallel_loop3A_324 = vector.shape_cast %parallel_loop3A_323 : vector<1x16xf32> to vector<16xf32>
      %parallel_loop3A_325 = arith.index_cast %parallel_loop3A_271 : i32 to index
      %parallel_loop3A_326 = arith.index_cast %parallel_loop3A_320 : i32 to index
      %parallel_loop3A_327 = tpu.vector_load %arg7[%parallel_loop3A_325, %parallel_loop3A_326] {strides = array<i32>} : memref<24x512xf32, #tpu.memory_space<vmem>>, vector<1x16xf32>,
      %parallel_loop3A_328 = vector.shape_cast %parallel_loop3A_327 : vector<1x16xf32> to vector<16xf32>
      %parallel_loop3A_329 = arith.index_cast %parallel_loop3A_271 : i32 to index
      %parallel_loop3A_330 = arith.index_cast %parallel_loop3A_320 : i32 to index
      %parallel_loop3A_331 = tpu.vector_load %arg8[%parallel_loop3A_329, %parallel_loop3A_330] {strides = array<i32>} : memref<24x512xi32, #tpu.memory_space<vmem>>, vector<1x16xi32>,
      %parallel_loop3A_332 = vector.shape_cast %parallel_loop3A_331 : vector<1x16xi32> to vector<16xi32>
      %parallel_loop3A_333 = arith.subf %parallel_loop3A_324, %parallel_loop3A_328 : vector<16xf32>
      %parallel_loop3A_334 = arith.mulf %parallel_loop3A_333, %parallel_loop3A_333 : vector<16xf32>
      %parallel_loop3A_335 = arith.constant 2 : i32
      %parallel_loop3A_336 = vector.broadcast %parallel_loop3A_335 : i32 to vector<16xi32>
      %parallel_loop3A_337 = arith.cmpi eq, %parallel_loop3A_332, %parallel_loop3A_336 : vector<16xi32>
      %parallel_loop3A_338 = arith.select %parallel_loop3A_337, %parallel_loop3A_334, %broadcast_in_dim3A_35 : vector<16xi1>, vector<16xf32>
      %parallel_loop3A_339 = arith.addf %parallel_loop3A_236, %parallel_loop3A_338 : vector<16xf32>
      %parallel_loop3A_340 = arith.constant 1 : i32
      %parallel_loop3A_341 = vector.broadcast %parallel_loop3A_340 : i32 to vector<16xi32>
      %parallel_loop3A_342 = arith.cmpi eq, %parallel_loop3A_332, %parallel_loop3A_341 : vector<16xi32>
      %parallel_loop3A_343 = arith.select %parallel_loop3A_342, %parallel_loop3A_334, %broadcast_in_dim3A_35 : vector<16xi1>, vector<16xf32>
      %parallel_loop3A_344 = arith.addf %parallel_loop3A_237, %parallel_loop3A_343 : vector<16xf32>
      %parallel_loop3A_345 = arith.addi %parallel_loop3A_238, %parallel_loop3A_332 : vector<16xi32>
      %parallel_loop3A_346 = arith.muli %parallel_loop3A_332, %parallel_loop3A_332 : vector<16xi32>
      %parallel_loop3A_347 = arith.addi %parallel_loop3A_239, %parallel_loop3A_346 : vector<16xi32>
      %parallel_loop3A_348 = arith.constant 32 : i32
      %parallel_loop3A_349 = arith.addi %parallel_loop3A_289, %parallel_loop3A_348 : i32
      %parallel_loop3A_350 = arith.index_cast %parallel_loop3A_271 : i32 to index
      %parallel_loop3A_351 = arith.index_cast %parallel_loop3A_349 : i32 to index
      %parallel_loop3A_352 = tpu.vector_load %arg6[%parallel_loop3A_350, %parallel_loop3A_351] {strides = array<i32>} : memref<24x512xf32, #tpu.memory_space<vmem>>, vector<1x16xf32>,
      %parallel_loop3A_353 = vector.shape_cast %parallel_loop3A_352 : vector<1x16xf32> to vector<16xf32>
      %parallel_loop3A_354 = arith.index_cast %parallel_loop3A_271 : i32 to index
      %parallel_loop3A_355 = arith.index_cast %parallel_loop3A_349 : i32 to index
      %parallel_loop3A_356 = tpu.vector_load %arg7[%parallel_loop3A_354, %parallel_loop3A_355] {strides = array<i32>} : memref<24x512xf32, #tpu.memory_space<vmem>>, vector<1x16xf32>,
      %parallel_loop3A_357 = vector.shape_cast %parallel_loop3A_356 : vector<1x16xf32> to vector<16xf32>
      %parallel_loop3A_358 = arith.index_cast %parallel_loop3A_271 : i32 to index
      %parallel_loop3A_359 = arith.index_cast %parallel_loop3A_349 : i32 to index
      %parallel_loop3A_360 = tpu.vector_load %arg8[%parallel_loop3A_358, %parallel_loop3A_359] {strides = array<i32>} : memref<24x512xi32, #tpu.memory_space<vmem>>, vector<1x16xi32>,
      %parallel_loop3A_361 = vector.shape_cast %parallel_loop3A_360 : vector<1x16xi32> to vector<16xi32>
      %parallel_loop3A_362 = arith.subf %parallel_loop3A_353, %parallel_loop3A_357 : vector<16xf32>
      %parallel_loop3A_363 = arith.mulf %parallel_loop3A_362, %parallel_loop3A_362 : vector<16xf32>
      %parallel_loop3A_364 = arith.constant 2 : i32
      %parallel_loop3A_365 = vector.broadcast %parallel_loop3A_364 : i32 to vector<16xi32>
      %parallel_loop3A_366 = arith.cmpi eq, %parallel_loop3A_361, %parallel_loop3A_365 : vector<16xi32>
      %parallel_loop3A_367 = arith.select %parallel_loop3A_366, %parallel_loop3A_363, %broadcast_in_dim3A_35 : vector<16xi1>, vector<16xf32>
      %parallel_loop3A_368 = arith.addf %parallel_loop3A_240, %parallel_loop3A_367 : vector<16xf32>
      %parallel_loop3A_369 = arith.constant 1 : i32
      %parallel_loop3A_370 = vector.broadcast %parallel_loop3A_369 : i32 to vector<16xi32>
      %parallel_loop3A_371 = arith.cmpi eq, %parallel_loop3A_361, %parallel_loop3A_370 : vector<16xi32>
      %parallel_loop3A_372 = arith.select %parallel_loop3A_371, %parallel_loop3A_363, %broadcast_in_dim3A_35 : vector<16xi1>, vector<16xf32>
      %parallel_loop3A_373 = arith.addf %parallel_loop3A_241, %parallel_loop3A_372 : vector<16xf32>
      %parallel_loop3A_374 = arith.addi %parallel_loop3A_242, %parallel_loop3A_361 : vector<16xi32>
      %parallel_loop3A_375 = arith.muli %parallel_loop3A_361, %parallel_loop3A_361 : vector<16xi32>
      %parallel_loop3A_376 = arith.addi %parallel_loop3A_243, %parallel_loop3A_375 : vector<16xi32>
      %parallel_loop3A_377 = arith.constant 48 : i32
      %parallel_loop3A_378 = arith.addi %parallel_loop3A_289, %parallel_loop3A_377 : i32
      %parallel_loop3A_379 = arith.index_cast %parallel_loop3A_271 : i32 to index
      %parallel_loop3A_380 = arith.index_cast %parallel_loop3A_378 : i32 to index
      %parallel_loop3A_381 = tpu.vector_load %arg6[%parallel_loop3A_379, %parallel_loop3A_380] {strides = array<i32>} : memref<24x512xf32, #tpu.memory_space<vmem>>, vector<1x16xf32>,
      %parallel_loop3A_382 = vector.shape_cast %parallel_loop3A_381 : vector<1x16xf32> to vector<16xf32>
      %parallel_loop3A_383 = arith.index_cast %parallel_loop3A_271 : i32 to index
      %parallel_loop3A_384 = arith.index_cast %parallel_loop3A_378 : i32 to index
      %parallel_loop3A_385 = tpu.vector_load %arg7[%parallel_loop3A_383, %parallel_loop3A_384] {strides = array<i32>} : memref<24x512xf32, #tpu.memory_space<vmem>>, vector<1x16xf32>,
      %parallel_loop3A_386 = vector.shape_cast %parallel_loop3A_385 : vector<1x16xf32> to vector<16xf32>
      %parallel_loop3A_387 = arith.index_cast %parallel_loop3A_271 : i32 to index
      %parallel_loop3A_388 = arith.index_cast %parallel_loop3A_378 : i32 to index
      %parallel_loop3A_389 = tpu.vector_load %arg8[%parallel_loop3A_387, %parallel_loop3A_388] {strides = array<i32>} : memref<24x512xi32, #tpu.memory_space<vmem>>, vector<1x16xi32>,
      %parallel_loop3A_390 = vector.shape_cast %parallel_loop3A_389 : vector<1x16xi32> to vector<16xi32>
      %parallel_loop3A_391 = arith.subf %parallel_loop3A_382, %parallel_loop3A_386 : vector<16xf32>
      %parallel_loop3A_392 = arith.mulf %parallel_loop3A_391, %parallel_loop3A_391 : vector<16xf32>
      %parallel_loop3A_393 = arith.constant 2 : i32
      %parallel_loop3A_394 = vector.broadcast %parallel_loop3A_393 : i32 to vector<16xi32>
      %parallel_loop3A_395 = arith.cmpi eq, %parallel_loop3A_390, %parallel_loop3A_394 : vector<16xi32>
      %parallel_loop3A_396 = arith.select %parallel_loop3A_395, %parallel_loop3A_392, %broadcast_in_dim3A_35 : vector<16xi1>, vector<16xf32>
      %parallel_loop3A_397 = arith.addf %parallel_loop3A_244, %parallel_loop3A_396 : vector<16xf32>
      %parallel_loop3A_398 = arith.constant 1 : i32
      %parallel_loop3A_399 = vector.broadcast %parallel_loop3A_398 : i32 to vector<16xi32>
      %parallel_loop3A_400 = arith.cmpi eq, %parallel_loop3A_390, %parallel_loop3A_399 : vector<16xi32>
      %parallel_loop3A_401 = arith.select %parallel_loop3A_400, %parallel_loop3A_392, %broadcast_in_dim3A_35 : vector<16xi1>, vector<16xf32>
      %parallel_loop3A_402 = arith.addf %parallel_loop3A_245, %parallel_loop3A_401 : vector<16xf32>
      %parallel_loop3A_403 = arith.addi %parallel_loop3A_246, %parallel_loop3A_390 : vector<16xi32>
      %parallel_loop3A_404 = arith.muli %parallel_loop3A_390, %parallel_loop3A_390 : vector<16xi32>
      %parallel_loop3A_405 = arith.addi %parallel_loop3A_247, %parallel_loop3A_404 : vector<16xi32>
      %parallel_loop3A_406 = arith.constant 64 : i32
      %parallel_loop3A_407 = arith.addi %parallel_loop3A_289, %parallel_loop3A_406 : i32
      %parallel_loop3A_408 = arith.index_cast %parallel_loop3A_271 : i32 to index
      %parallel_loop3A_409 = arith.index_cast %parallel_loop3A_407 : i32 to index
      %parallel_loop3A_410 = tpu.vector_load %arg6[%parallel_loop3A_408, %parallel_loop3A_409] {strides = array<i32>} : memref<24x512xf32, #tpu.memory_space<vmem>>, vector<1x16xf32>,
      %parallel_loop3A_411 = vector.shape_cast %parallel_loop3A_410 : vector<1x16xf32> to vector<16xf32>
      %parallel_loop3A_412 = arith.index_cast %parallel_loop3A_271 : i32 to index
      %parallel_loop3A_413 = arith.index_cast %parallel_loop3A_407 : i32 to index
      %parallel_loop3A_414 = tpu.vector_load %arg7[%parallel_loop3A_412, %parallel_loop3A_413] {strides = array<i32>} : memref<24x512xf32, #tpu.memory_space<vmem>>, vector<1x16xf32>,
      %parallel_loop3A_415 = vector.shape_cast %parallel_loop3A_414 : vector<1x16xf32> to vector<16xf32>
      %parallel_loop3A_416 = arith.index_cast %parallel_loop3A_271 : i32 to index
      %parallel_loop3A_417 = arith.index_cast %parallel_loop3A_407 : i32 to index
      %parallel_loop3A_418 = tpu.vector_load %arg8[%parallel_loop3A_416, %parallel_loop3A_417] {strides = array<i32>} : memref<24x512xi32, #tpu.memory_space<vmem>>, vector<1x16xi32>,
      %parallel_loop3A_419 = vector.shape_cast %parallel_loop3A_418 : vector<1x16xi32> to vector<16xi32>
      %parallel_loop3A_420 = arith.subf %parallel_loop3A_411, %parallel_loop3A_415 : vector<16xf32>
      %parallel_loop3A_421 = arith.mulf %parallel_loop3A_420, %parallel_loop3A_420 : vector<16xf32>
      %parallel_loop3A_422 = arith.constant 2 : i32
      %parallel_loop3A_423 = vector.broadcast %parallel_loop3A_422 : i32 to vector<16xi32>
      %parallel_loop3A_424 = arith.cmpi eq, %parallel_loop3A_419, %parallel_loop3A_423 : vector<16xi32>
      %parallel_loop3A_425 = arith.select %parallel_loop3A_424, %parallel_loop3A_421, %broadcast_in_dim3A_35 : vector<16xi1>, vector<16xf32>
      %parallel_loop3A_426 = arith.addf %parallel_loop3A_310, %parallel_loop3A_425 : vector<16xf32>
      %parallel_loop3A_427 = arith.constant 1 : i32
      %parallel_loop3A_428 = vector.broadcast %parallel_loop3A_427 : i32 to vector<16xi32>
      %parallel_loop3A_429 = arith.cmpi eq, %parallel_loop3A_419, %parallel_loop3A_428 : vector<16xi32>
      %parallel_loop3A_430 = arith.select %parallel_loop3A_429, %parallel_loop3A_421, %broadcast_in_dim3A_35 : vector<16xi1>, vector<16xf32>
      %parallel_loop3A_431 = arith.addf %parallel_loop3A_315, %parallel_loop3A_430 : vector<16xf32>
      %parallel_loop3A_432 = arith.addi %parallel_loop3A_316, %parallel_loop3A_419 : vector<16xi32>
      %parallel_loop3A_433 = arith.muli %parallel_loop3A_419, %parallel_loop3A_419 : vector<16xi32>
      %parallel_loop3A_434 = arith.addi %parallel_loop3A_318, %parallel_loop3A_433 : vector<16xi32>
      %parallel_loop3A_435 = arith.constant 80 : i32
      %parallel_loop3A_436 = arith.addi %parallel_loop3A_289, %parallel_loop3A_435 : i32
      %parallel_loop3A_437 = arith.index_cast %parallel_loop3A_271 : i32 to index
      %parallel_loop3A_438 = arith.index_cast %parallel_loop3A_436 : i32 to index
      %parallel_loop3A_439 = tpu.vector_load %arg6[%parallel_loop3A_437, %parallel_loop3A_438] {strides = array<i32>} : memref<24x512xf32, #tpu.memory_space<vmem>>, vector<1x16xf32>,
      %parallel_loop3A_440 = vector.shape_cast %parallel_loop3A_439 : vector<1x16xf32> to vector<16xf32>
      %parallel_loop3A_441 = arith.index_cast %parallel_loop3A_271 : i32 to index
      %parallel_loop3A_442 = arith.index_cast %parallel_loop3A_436 : i32 to index
      %parallel_loop3A_443 = tpu.vector_load %arg7[%parallel_loop3A_441, %parallel_loop3A_442] {strides = array<i32>} : memref<24x512xf32, #tpu.memory_space<vmem>>, vector<1x16xf32>,
      %parallel_loop3A_444 = vector.shape_cast %parallel_loop3A_443 : vector<1x16xf32> to vector<16xf32>
      %parallel_loop3A_445 = arith.index_cast %parallel_loop3A_271 : i32 to index
      %parallel_loop3A_446 = arith.index_cast %parallel_loop3A_436 : i32 to index
      %parallel_loop3A_447 = tpu.vector_load %arg8[%parallel_loop3A_445, %parallel_loop3A_446] {strides = array<i32>} : memref<24x512xi32, #tpu.memory_space<vmem>>, vector<1x16xi32>,
      %parallel_loop3A_448 = vector.shape_cast %parallel_loop3A_447 : vector<1x16xi32> to vector<16xi32>
      %parallel_loop3A_449 = arith.subf %parallel_loop3A_440, %parallel_loop3A_444 : vector<16xf32>
      %parallel_loop3A_450 = arith.mulf %parallel_loop3A_449, %parallel_loop3A_449 : vector<16xf32>
      %parallel_loop3A_451 = arith.constant 2 : i32
      %parallel_loop3A_452 = vector.broadcast %parallel_loop3A_451 : i32 to vector<16xi32>
      %parallel_loop3A_453 = arith.cmpi eq, %parallel_loop3A_448, %parallel_loop3A_452 : vector<16xi32>
      %parallel_loop3A_454 = arith.select %parallel_loop3A_453, %parallel_loop3A_450, %broadcast_in_dim3A_35 : vector<16xi1>, vector<16xf32>
      %parallel_loop3A_455 = arith.addf %parallel_loop3A_339, %parallel_loop3A_454 : vector<16xf32>
      %parallel_loop3A_456 = arith.constant 1 : i32
      %parallel_loop3A_457 = vector.broadcast %parallel_loop3A_456 : i32 to vector<16xi32>
      %parallel_loop3A_458 = arith.cmpi eq, %parallel_loop3A_448, %parallel_loop3A_457 : vector<16xi32>
      %parallel_loop3A_459 = arith.select %parallel_loop3A_458, %parallel_loop3A_450, %broadcast_in_dim3A_35 : vector<16xi1>, vector<16xf32>
      %parallel_loop3A_460 = arith.addf %parallel_loop3A_344, %parallel_loop3A_459 : vector<16xf32>
      %parallel_loop3A_461 = arith.addi %parallel_loop3A_345, %parallel_loop3A_448 : vector<16xi32>
      %parallel_loop3A_462 = arith.muli %parallel_loop3A_448, %parallel_loop3A_448 : vector<16xi32>
      %parallel_loop3A_463 = arith.addi %parallel_loop3A_347, %parallel_loop3A_462 : vector<16xi32>
      %parallel_loop3A_464 = arith.constant 96 : i32
      %parallel_loop3A_465 = arith.addi %parallel_loop3A_289, %parallel_loop3A_464 : i32
      %parallel_loop3A_466 = arith.index_cast %parallel_loop3A_271 : i32 to index
      %parallel_loop3A_467 = arith.index_cast %parallel_loop3A_465 : i32 to index
      %parallel_loop3A_468 = tpu.vector_load %arg6[%parallel_loop3A_466, %parallel_loop3A_467] {strides = array<i32>} : memref<24x512xf32, #tpu.memory_space<vmem>>, vector<1x16xf32>,
      %parallel_loop3A_469 = vector.shape_cast %parallel_loop3A_468 : vector<1x16xf32> to vector<16xf32>
      %parallel_loop3A_470 = arith.index_cast %parallel_loop3A_271 : i32 to index
      %parallel_loop3A_471 = arith.index_cast %parallel_loop3A_465 : i32 to index
      %parallel_loop3A_472 = tpu.vector_load %arg7[%parallel_loop3A_470, %parallel_loop3A_471] {strides = array<i32>} : memref<24x512xf32, #tpu.memory_space<vmem>>, vector<1x16xf32>,
      %parallel_loop3A_473 = vector.shape_cast %parallel_loop3A_472 : vector<1x16xf32> to vector<16xf32>
      %parallel_loop3A_474 = arith.index_cast %parallel_loop3A_271 : i32 to index
      %parallel_loop3A_475 = arith.index_cast %parallel_loop3A_465 : i32 to index
      %parallel_loop3A_476 = tpu.vector_load %arg8[%parallel_loop3A_474, %parallel_loop3A_475] {strides = array<i32>} : memref<24x512xi32, #tpu.memory_space<vmem>>, vector<1x16xi32>,
      %parallel_loop3A_477 = vector.shape_cast %parallel_loop3A_476 : vector<1x16xi32> to vector<16xi32>
      %parallel_loop3A_478 = arith.subf %parallel_loop3A_469, %parallel_loop3A_473 : vector<16xf32>
      %parallel_loop3A_479 = arith.mulf %parallel_loop3A_478, %parallel_loop3A_478 : vector<16xf32>
      %parallel_loop3A_480 = arith.constant 2 : i32
      %parallel_loop3A_481 = vector.broadcast %parallel_loop3A_480 : i32 to vector<16xi32>
      %parallel_loop3A_482 = arith.cmpi eq, %parallel_loop3A_477, %parallel_loop3A_481 : vector<16xi32>
      %parallel_loop3A_483 = arith.select %parallel_loop3A_482, %parallel_loop3A_479, %broadcast_in_dim3A_35 : vector<16xi1>, vector<16xf32>
      %parallel_loop3A_484 = arith.addf %parallel_loop3A_368, %parallel_loop3A_483 : vector<16xf32>
      %parallel_loop3A_485 = arith.constant 1 : i32
      %parallel_loop3A_486 = vector.broadcast %parallel_loop3A_485 : i32 to vector<16xi32>
      %parallel_loop3A_487 = arith.cmpi eq, %parallel_loop3A_477, %parallel_loop3A_486 : vector<16xi32>
      %parallel_loop3A_488 = arith.select %parallel_loop3A_487, %parallel_loop3A_479, %broadcast_in_dim3A_35 : vector<16xi1>, vector<16xf32>
      %parallel_loop3A_489 = arith.addf %parallel_loop3A_373, %parallel_loop3A_488 : vector<16xf32>
      %parallel_loop3A_490 = arith.addi %parallel_loop3A_374, %parallel_loop3A_477 : vector<16xi32>
      %parallel_loop3A_491 = arith.muli %parallel_loop3A_477, %parallel_loop3A_477 : vector<16xi32>
      %parallel_loop3A_492 = arith.addi %parallel_loop3A_376, %parallel_loop3A_491 : vector<16xi32>
      %parallel_loop3A_493 = arith.constant 112 : i32
      %parallel_loop3A_494 = arith.addi %parallel_loop3A_289, %parallel_loop3A_493 : i32
      %parallel_loop3A_495 = arith.index_cast %parallel_loop3A_271 : i32 to index
      %parallel_loop3A_496 = arith.index_cast %parallel_loop3A_494 : i32 to index
      %parallel_loop3A_497 = tpu.vector_load %arg6[%parallel_loop3A_495, %parallel_loop3A_496] {strides = array<i32>} : memref<24x512xf32, #tpu.memory_space<vmem>>, vector<1x16xf32>,
      %parallel_loop3A_498 = vector.shape_cast %parallel_loop3A_497 : vector<1x16xf32> to vector<16xf32>
      %parallel_loop3A_499 = arith.index_cast %parallel_loop3A_271 : i32 to index
      %parallel_loop3A_500 = arith.index_cast %parallel_loop3A_494 : i32 to index
      %parallel_loop3A_501 = tpu.vector_load %arg7[%parallel_loop3A_499, %parallel_loop3A_500] {strides = array<i32>} : memref<24x512xf32, #tpu.memory_space<vmem>>, vector<1x16xf32>,
      %parallel_loop3A_502 = vector.shape_cast %parallel_loop3A_501 : vector<1x16xf32> to vector<16xf32>
      %parallel_loop3A_503 = arith.index_cast %parallel_loop3A_271 : i32 to index
      %parallel_loop3A_504 = arith.index_cast %parallel_loop3A_494 : i32 to index
      %parallel_loop3A_505 = tpu.vector_load %arg8[%parallel_loop3A_503, %parallel_loop3A_504] {strides = array<i32>} : memref<24x512xi32, #tpu.memory_space<vmem>>, vector<1x16xi32>,
      %parallel_loop3A_506 = vector.shape_cast %parallel_loop3A_505 : vector<1x16xi32> to vector<16xi32>
      %parallel_loop3A_507 = arith.subf %parallel_loop3A_498, %parallel_loop3A_502 : vector<16xf32>
      %parallel_loop3A_508 = arith.mulf %parallel_loop3A_507, %parallel_loop3A_507 : vector<16xf32>
      %parallel_loop3A_509 = arith.constant 2 : i32
      %parallel_loop3A_510 = vector.broadcast %parallel_loop3A_509 : i32 to vector<16xi32>
      %parallel_loop3A_511 = arith.cmpi eq, %parallel_loop3A_506, %parallel_loop3A_510 : vector<16xi32>
      %parallel_loop3A_512 = arith.select %parallel_loop3A_511, %parallel_loop3A_508, %broadcast_in_dim3A_35 : vector<16xi1>, vector<16xf32>
      %parallel_loop3A_513 = arith.addf %parallel_loop3A_397, %parallel_loop3A_512 : vector<16xf32>
      %parallel_loop3A_514 = arith.constant 1 : i32
      %parallel_loop3A_515 = vector.broadcast %parallel_loop3A_514 : i32 to vector<16xi32>
      %parallel_loop3A_516 = arith.cmpi eq, %parallel_loop3A_506, %parallel_loop3A_515 : vector<16xi32>
      %parallel_loop3A_517 = arith.select %parallel_loop3A_516, %parallel_loop3A_508, %broadcast_in_dim3A_35 : vector<16xi1>, vector<16xf32>
      %parallel_loop3A_518 = arith.addf %parallel_loop3A_402, %parallel_loop3A_517 : vector<16xf32>
      %parallel_loop3A_519 = arith.addi %parallel_loop3A_403, %parallel_loop3A_506 : vector<16xi32>
      %parallel_loop3A_520 = arith.muli %parallel_loop3A_506, %parallel_loop3A_506 : vector<16xi32>
      %parallel_loop3A_521 = arith.addi %parallel_loop3A_405, %parallel_loop3A_520 : vector<16xi32>
      scf.yield %parallel_loop3A_426, %parallel_loop3A_431, %parallel_loop3A_432, %parallel_loop3A_434, %parallel_loop3A_455, %parallel_loop3A_460, %parallel_loop3A_461, %parallel_loop3A_463, %parallel_loop3A_484, %parallel_loop3A_489, %parallel_loop3A_490, %parallel_loop3A_492, %parallel_loop3A_513, %parallel_loop3A_518, %parallel_loop3A_519, %parallel_loop3A_521 : vector<16xf32>, vector<16xf32>, vector<16xi32>, vector<16xi32>, vector<16xf32>, vector<16xf32>, vector<16xi32>, vector<16xi32>, vector<16xf32>, vector<16xf32>, vector<16xi32>, vector<16xi32>, vector<16xf32>, vector<16xf32>, vector<16xi32>, vector<16xi32>
    } {sc.loop_unroll_factor = 2 : i64, sc.parallel_access}
    %add3A_153 = arith.constant 24 : i32
    %add3A_154 = arith.addi %add3A_34, %add3A_153 : i32
    %dma_wait3A_155 = arith.constant 0 : i32
    %dma_wait3A_156 = arith.constant 0 : i32
    %dma_wait3A_157 = tpu.memref_slice %arg9[%dma_wait3A_155, %dma_wait3A_156] : memref<24x512xf32, #tpu.memory_space<vmem>> -> memref<8x512xf32, #tpu.memory_space<vmem>>
    %dma_wait3A_158 = arith.constant 0 : i32
    %dma_wait3A_159 = tpu.memref_slice %arg2[%select_n3A, %add3A_154, %dma_wait3A_158] : memref<8x512x512xf32, #tpu.memory_space<hbm>> -> memref<1x8x512xf32, #tpu.memory_space<hbm>>
    %dma_wait3A_160 = tpu.memref_squeeze %dma_wait3A_159 : memref<1x8x512xf32, #tpu.memory_space<hbm>> -> memref<8x512xf32, #tpu.memory_space<hbm>>
    %dma_wait3A_161 = arith.constant 0 : i32
    %dma_wait3A_162 = arith.constant 0 : i32
    %dma_wait3A_163 = tpu.memref_slice %arg9[%dma_wait3A_161, %dma_wait3A_162] : memref<24x512xf32, #tpu.memory_space<vmem>> -> memref<8x512xf32, #tpu.memory_space<vmem>>
    %dma_wait3A_164 = arith.constant 0 : i32
    %dma_wait3A_165 = tpu.memref_slice %arg2[%select_n3A, %add3A_154, %dma_wait3A_164] : memref<8x512x512xf32, #tpu.memory_space<hbm>> -> memref<1x8x512xf32, #tpu.memory_space<hbm>>
    %dma_wait3A_166 = tpu.memref_squeeze %dma_wait3A_165 : memref<1x8x512xf32, #tpu.memory_space<hbm>> -> memref<8x512xf32, #tpu.memory_space<hbm>>
    tpu.wait_dma2 semaphore(%arg14 : memref<!tpu.dma_semaphore, #tpu.memory_space<semaphore_mem>>) src(%dma_wait3A_166 : memref<8x512xf32, #tpu.memory_space<hbm>>) dst(%dma_wait3A_163 : memref<8x512xf32, #tpu.memory_space<vmem>>)
    %dma_wait3A_167 = arith.constant 0 : i32
    %dma_wait3A_168 = arith.constant 0 : i32
    %dma_wait3A_169 = tpu.memref_slice %arg10[%dma_wait3A_167, %dma_wait3A_168] : memref<24x512xf32, #tpu.memory_space<vmem>> -> memref<8x512xf32, #tpu.memory_space<vmem>>
    %dma_wait3A_170 = arith.constant 0 : i32
    %dma_wait3A_171 = tpu.memref_slice %arg3[%select_n3A, %add3A_154, %dma_wait3A_170] : memref<8x512x512xf32, #tpu.memory_space<hbm>> -> memref<1x8x512xf32, #tpu.memory_space<hbm>>
    %dma_wait3A_172 = tpu.memref_squeeze %dma_wait3A_171 : memref<1x8x512xf32, #tpu.memory_space<hbm>> -> memref<8x512xf32, #tpu.memory_space<hbm>>
    %dma_wait3A_173 = arith.constant 0 : i32
    %dma_wait3A_174 = arith.constant 0 : i32
    %dma_wait3A_175 = tpu.memref_slice %arg10[%dma_wait3A_173, %dma_wait3A_174] : memref<24x512xf32, #tpu.memory_space<vmem>> -> memref<8x512xf32, #tpu.memory_space<vmem>>
    %dma_wait3A_176 = arith.constant 0 : i32
    %dma_wait3A_177 = tpu.memref_slice %arg3[%select_n3A, %add3A_154, %dma_wait3A_176] : memref<8x512x512xf32, #tpu.memory_space<hbm>> -> memref<1x8x512xf32, #tpu.memory_space<hbm>>
    %dma_wait3A_178 = tpu.memref_squeeze %dma_wait3A_177 : memref<1x8x512xf32, #tpu.memory_space<hbm>> -> memref<8x512xf32, #tpu.memory_space<hbm>>
    tpu.wait_dma2 semaphore(%arg14 : memref<!tpu.dma_semaphore, #tpu.memory_space<semaphore_mem>>) src(%dma_wait3A_178 : memref<8x512xf32, #tpu.memory_space<hbm>>) dst(%dma_wait3A_175 : memref<8x512xf32, #tpu.memory_space<vmem>>)
    %dma_wait3A_179 = arith.constant 0 : i32
    %dma_wait3A_180 = arith.constant 0 : i32
    %dma_wait3A_181 = tpu.memref_slice %arg11[%dma_wait3A_179, %dma_wait3A_180] : memref<24x512xi32, #tpu.memory_space<vmem>> -> memref<8x512xi32, #tpu.memory_space<vmem>>
    %dma_wait3A_182 = arith.constant 0 : i32
    %dma_wait3A_183 = tpu.memref_slice %arg4[%select_n3A, %add3A_154, %dma_wait3A_182] : memref<8x512x512xi32, #tpu.memory_space<hbm>> -> memref<1x8x512xi32, #tpu.memory_space<hbm>>
    %dma_wait3A_184 = tpu.memref_squeeze %dma_wait3A_183 : memref<1x8x512xi32, #tpu.memory_space<hbm>> -> memref<8x512xi32, #tpu.memory_space<hbm>>
    %dma_wait3A_185 = arith.constant 0 : i32
    %dma_wait3A_186 = arith.constant 0 : i32
    %dma_wait3A_187 = tpu.memref_slice %arg11[%dma_wait3A_185, %dma_wait3A_186] : memref<24x512xi32, #tpu.memory_space<vmem>> -> memref<8x512xi32, #tpu.memory_space<vmem>>
    %dma_wait3A_188 = arith.constant 0 : i32
    %dma_wait3A_189 = tpu.memref_slice %arg4[%select_n3A, %add3A_154, %dma_wait3A_188] : memref<8x512x512xi32, #tpu.memory_space<hbm>> -> memref<1x8x512xi32, #tpu.memory_space<hbm>>
    %dma_wait3A_190 = tpu.memref_squeeze %dma_wait3A_189 : memref<1x8x512xi32, #tpu.memory_space<hbm>> -> memref<8x512xi32, #tpu.memory_space<hbm>>
    tpu.wait_dma2 semaphore(%arg14 : memref<!tpu.dma_semaphore, #tpu.memory_space<semaphore_mem>>) src(%dma_wait3A_190 : memref<8x512xi32, #tpu.memory_space<hbm>>) dst(%dma_wait3A_187 : memref<8x512xi32, #tpu.memory_space<vmem>>)
    %parallel_loop3A_191 = arith.constant 0 : i32
    %parallel_loop3A_192 = arith.constant 32 : i32
    %parallel_loop3A_193 = arith.constant 1 : i32
    %parallel_loop3A_194:16 = scf.for %parallel_loop3A_231 = %parallel_loop3A_191 to %parallel_loop3A_192 step %parallel_loop3A_193 iter_args(%parallel_loop3A_232 = %parallel_loop3A_152#0, %parallel_loop3A_233 = %parallel_loop3A_152#1, %parallel_loop3A_234 = %parallel_loop3A_152#2, %parallel_loop3A_235 = %parallel_loop3A_152#3, %parallel_loop3A_236 = %parallel_loop3A_152#4, %parallel_loop3A_237 = %parallel_loop3A_152#5, %parallel_loop3A_238 = %parallel_loop3A_152#6, %parallel_loop3A_239 = %parallel_loop3A_152#7, %parallel_loop3A_240 = %parallel_loop3A_152#8, %parallel_loop3A_241 = %parallel_loop3A_152#9, %parallel_loop3A_242 = %parallel_loop3A_152#10, %parallel_loop3A_243 = %parallel_loop3A_152#11, %parallel_loop3A_244 = %parallel_loop3A_152#12, %parallel_loop3A_245 = %parallel_loop3A_152#13, %parallel_loop3A_246 = %parallel_loop3A_152#14, %parallel_loop3A_247 = %parallel_loop3A_152#15) -> (vector<16xf32>, vector<16xf32>, vector<16xi32>, vector<16xi32>, vector<16xf32>, vector<16xf32>, vector<16xi32>, vector<16xi32>, vector<16xf32>, vector<16xf32>, vector<16xi32>, vector<16xi32>, vector<16xf32>, vector<16xf32>, vector<16xi32>, vector<16xi32>)  : i32 {
      %parallel_loop3A_248 = arith.constant 4 : i32
      %parallel_loop3A_249 = arith.divsi %parallel_loop3A_231, %parallel_loop3A_248 : i32
      %parallel_loop3A_250 = arith.constant 0 : i32
      %parallel_loop3A_251 = arith.cmpi sgt, %parallel_loop3A_231, %parallel_loop3A_250 : i32
      %parallel_loop3A_252 = arith.extui %parallel_loop3A_251 : i1 to i32
      %parallel_loop3A_253 = arith.constant 0 : i32
      %parallel_loop3A_254 = arith.cmpi slt, %parallel_loop3A_231, %parallel_loop3A_253 : i32
      %parallel_loop3A_255 = arith.extui %parallel_loop3A_254 : i1 to i32
      %parallel_loop3A_256 = arith.subi %parallel_loop3A_252, %parallel_loop3A_255 : i32
      %parallel_loop3A_257 = arith.constant 0 : i32
      %parallel_loop3A_258 = arith.cmpi sgt, %parallel_loop3A_248, %parallel_loop3A_257 : i32
      %parallel_loop3A_259 = arith.extui %parallel_loop3A_258 : i1 to i32
      %parallel_loop3A_260 = arith.constant 0 : i32
      %parallel_loop3A_261 = arith.cmpi slt, %parallel_loop3A_248, %parallel_loop3A_260 : i32
      %parallel_loop3A_262 = arith.extui %parallel_loop3A_261 : i1 to i32
      %parallel_loop3A_263 = arith.subi %parallel_loop3A_259, %parallel_loop3A_262 : i32
      %parallel_loop3A_264 = arith.cmpi ne, %parallel_loop3A_256, %parallel_loop3A_263 : i32
      %parallel_loop3A_265 = arith.remsi %parallel_loop3A_231, %parallel_loop3A_248 : i32
      %parallel_loop3A_266 = arith.constant 0 : i32
      %parallel_loop3A_267 = arith.cmpi ne, %parallel_loop3A_265, %parallel_loop3A_266 : i32
      %parallel_loop3A_268 = arith.andi %parallel_loop3A_264, %parallel_loop3A_267 : i1
      %parallel_loop3A_269 = arith.constant 1 : i32
      %parallel_loop3A_270 = arith.subi %parallel_loop3A_249, %parallel_loop3A_269 : i32
      %parallel_loop3A_271 = arith.select %parallel_loop3A_268, %parallel_loop3A_270, %parallel_loop3A_249 : i32
      %parallel_loop3A_272 = arith.constant 4 : i32
      %parallel_loop3A_273 = arith.constant 0 : i32
      %parallel_loop3A_274 = arith.cmpi eq, %parallel_loop3A_272, %parallel_loop3A_273 : i32
      %parallel_loop3A_275 = arith.constant 1 : i32
      %parallel_loop3A_276 = arith.select %parallel_loop3A_274, %parallel_loop3A_275, %parallel_loop3A_272 : i32
      %parallel_loop3A_277 = arith.remsi %parallel_loop3A_231, %parallel_loop3A_276 : i32
      %parallel_loop3A_278 = arith.constant 0 : i32
      %parallel_loop3A_279 = arith.cmpi ne, %parallel_loop3A_277, %parallel_loop3A_278 : i32
      %parallel_loop3A_280 = arith.constant 0 : i32
      %parallel_loop3A_281 = arith.cmpi slt, %parallel_loop3A_277, %parallel_loop3A_280 : i32
      %parallel_loop3A_282 = arith.constant 0 : i32
      %parallel_loop3A_283 = arith.cmpi slt, %parallel_loop3A_276, %parallel_loop3A_282 : i32
      %parallel_loop3A_284 = arith.xori %parallel_loop3A_281, %parallel_loop3A_283 : i1
      %parallel_loop3A_285 = arith.andi %parallel_loop3A_284, %parallel_loop3A_279 : i1
      %parallel_loop3A_286 = arith.addi %parallel_loop3A_277, %parallel_loop3A_276 : i32
      %parallel_loop3A_287 = arith.select %parallel_loop3A_285, %parallel_loop3A_286, %parallel_loop3A_277 : i32
      %parallel_loop3A_288 = arith.constant 128 : i32
      %parallel_loop3A_289 = arith.muli %parallel_loop3A_287, %parallel_loop3A_288 : i32
      %parallel_loop3A_290 = arith.constant 0 : i32
      %parallel_loop3A_291 = arith.addi %parallel_loop3A_289, %parallel_loop3A_290 : i32
      %parallel_loop3A_292 = arith.index_cast %parallel_loop3A_271 : i32 to index
      %parallel_loop3A_293 = arith.index_cast %parallel_loop3A_291 : i32 to index
      %parallel_loop3A_294 = tpu.vector_load %arg9[%parallel_loop3A_292, %parallel_loop3A_293] {strides = array<i32>} : memref<24x512xf32, #tpu.memory_space<vmem>>, vector<1x16xf32>,
      %parallel_loop3A_295 = vector.shape_cast %parallel_loop3A_294 : vector<1x16xf32> to vector<16xf32>
      %parallel_loop3A_296 = arith.index_cast %parallel_loop3A_271 : i32 to index
      %parallel_loop3A_297 = arith.index_cast %parallel_loop3A_291 : i32 to index
      %parallel_loop3A_298 = tpu.vector_load %arg10[%parallel_loop3A_296, %parallel_loop3A_297] {strides = array<i32>} : memref<24x512xf32, #tpu.memory_space<vmem>>, vector<1x16xf32>,
      %parallel_loop3A_299 = vector.shape_cast %parallel_loop3A_298 : vector<1x16xf32> to vector<16xf32>
      %parallel_loop3A_300 = arith.index_cast %parallel_loop3A_271 : i32 to index
      %parallel_loop3A_301 = arith.index_cast %parallel_loop3A_291 : i32 to index
      %parallel_loop3A_302 = tpu.vector_load %arg11[%parallel_loop3A_300, %parallel_loop3A_301] {strides = array<i32>} : memref<24x512xi32, #tpu.memory_space<vmem>>, vector<1x16xi32>,
      %parallel_loop3A_303 = vector.shape_cast %parallel_loop3A_302 : vector<1x16xi32> to vector<16xi32>
      %parallel_loop3A_304 = arith.subf %parallel_loop3A_295, %parallel_loop3A_299 : vector<16xf32>
      %parallel_loop3A_305 = arith.mulf %parallel_loop3A_304, %parallel_loop3A_304 : vector<16xf32>
      %parallel_loop3A_306 = arith.constant 2 : i32
      %parallel_loop3A_307 = vector.broadcast %parallel_loop3A_306 : i32 to vector<16xi32>
      %parallel_loop3A_308 = arith.cmpi eq, %parallel_loop3A_303, %parallel_loop3A_307 : vector<16xi32>
      %parallel_loop3A_309 = arith.select %parallel_loop3A_308, %parallel_loop3A_305, %broadcast_in_dim3A_35 : vector<16xi1>, vector<16xf32>
      %parallel_loop3A_310 = arith.addf %parallel_loop3A_232, %parallel_loop3A_309 : vector<16xf32>
      %parallel_loop3A_311 = arith.constant 1 : i32
      %parallel_loop3A_312 = vector.broadcast %parallel_loop3A_311 : i32 to vector<16xi32>
      %parallel_loop3A_313 = arith.cmpi eq, %parallel_loop3A_303, %parallel_loop3A_312 : vector<16xi32>
      %parallel_loop3A_314 = arith.select %parallel_loop3A_313, %parallel_loop3A_305, %broadcast_in_dim3A_35 : vector<16xi1>, vector<16xf32>
      %parallel_loop3A_315 = arith.addf %parallel_loop3A_233, %parallel_loop3A_314 : vector<16xf32>
      %parallel_loop3A_316 = arith.addi %parallel_loop3A_234, %parallel_loop3A_303 : vector<16xi32>
      %parallel_loop3A_317 = arith.muli %parallel_loop3A_303, %parallel_loop3A_303 : vector<16xi32>
      %parallel_loop3A_318 = arith.addi %parallel_loop3A_235, %parallel_loop3A_317 : vector<16xi32>
      %parallel_loop3A_319 = arith.constant 16 : i32
      %parallel_loop3A_320 = arith.addi %parallel_loop3A_289, %parallel_loop3A_319 : i32
      %parallel_loop3A_321 = arith.index_cast %parallel_loop3A_271 : i32 to index
      %parallel_loop3A_322 = arith.index_cast %parallel_loop3A_320 : i32 to index
      %parallel_loop3A_323 = tpu.vector_load %arg9[%parallel_loop3A_321, %parallel_loop3A_322] {strides = array<i32>} : memref<24x512xf32, #tpu.memory_space<vmem>>, vector<1x16xf32>,
      %parallel_loop3A_324 = vector.shape_cast %parallel_loop3A_323 : vector<1x16xf32> to vector<16xf32>
      %parallel_loop3A_325 = arith.index_cast %parallel_loop3A_271 : i32 to index
      %parallel_loop3A_326 = arith.index_cast %parallel_loop3A_320 : i32 to index
      %parallel_loop3A_327 = tpu.vector_load %arg10[%parallel_loop3A_325, %parallel_loop3A_326] {strides = array<i32>} : memref<24x512xf32, #tpu.memory_space<vmem>>, vector<1x16xf32>,
      %parallel_loop3A_328 = vector.shape_cast %parallel_loop3A_327 : vector<1x16xf32> to vector<16xf32>
      %parallel_loop3A_329 = arith.index_cast %parallel_loop3A_271 : i32 to index
      %parallel_loop3A_330 = arith.index_cast %parallel_loop3A_320 : i32 to index
      %parallel_loop3A_331 = tpu.vector_load %arg11[%parallel_loop3A_329, %parallel_loop3A_330] {strides = array<i32>} : memref<24x512xi32, #tpu.memory_space<vmem>>, vector<1x16xi32>,
      %parallel_loop3A_332 = vector.shape_cast %parallel_loop3A_331 : vector<1x16xi32> to vector<16xi32>
      %parallel_loop3A_333 = arith.subf %parallel_loop3A_324, %parallel_loop3A_328 : vector<16xf32>
      %parallel_loop3A_334 = arith.mulf %parallel_loop3A_333, %parallel_loop3A_333 : vector<16xf32>
      %parallel_loop3A_335 = arith.constant 2 : i32
      %parallel_loop3A_336 = vector.broadcast %parallel_loop3A_335 : i32 to vector<16xi32>
      %parallel_loop3A_337 = arith.cmpi eq, %parallel_loop3A_332, %parallel_loop3A_336 : vector<16xi32>
      %parallel_loop3A_338 = arith.select %parallel_loop3A_337, %parallel_loop3A_334, %broadcast_in_dim3A_35 : vector<16xi1>, vector<16xf32>
      %parallel_loop3A_339 = arith.addf %parallel_loop3A_236, %parallel_loop3A_338 : vector<16xf32>
      %parallel_loop3A_340 = arith.constant 1 : i32
      %parallel_loop3A_341 = vector.broadcast %parallel_loop3A_340 : i32 to vector<16xi32>
      %parallel_loop3A_342 = arith.cmpi eq, %parallel_loop3A_332, %parallel_loop3A_341 : vector<16xi32>
      %parallel_loop3A_343 = arith.select %parallel_loop3A_342, %parallel_loop3A_334, %broadcast_in_dim3A_35 : vector<16xi1>, vector<16xf32>
      %parallel_loop3A_344 = arith.addf %parallel_loop3A_237, %parallel_loop3A_343 : vector<16xf32>
      %parallel_loop3A_345 = arith.addi %parallel_loop3A_238, %parallel_loop3A_332 : vector<16xi32>
      %parallel_loop3A_346 = arith.muli %parallel_loop3A_332, %parallel_loop3A_332 : vector<16xi32>
      %parallel_loop3A_347 = arith.addi %parallel_loop3A_239, %parallel_loop3A_346 : vector<16xi32>
      %parallel_loop3A_348 = arith.constant 32 : i32
      %parallel_loop3A_349 = arith.addi %parallel_loop3A_289, %parallel_loop3A_348 : i32
      %parallel_loop3A_350 = arith.index_cast %parallel_loop3A_271 : i32 to index
      %parallel_loop3A_351 = arith.index_cast %parallel_loop3A_349 : i32 to index
      %parallel_loop3A_352 = tpu.vector_load %arg9[%parallel_loop3A_350, %parallel_loop3A_351] {strides = array<i32>} : memref<24x512xf32, #tpu.memory_space<vmem>>, vector<1x16xf32>,
      %parallel_loop3A_353 = vector.shape_cast %parallel_loop3A_352 : vector<1x16xf32> to vector<16xf32>
      %parallel_loop3A_354 = arith.index_cast %parallel_loop3A_271 : i32 to index
      %parallel_loop3A_355 = arith.index_cast %parallel_loop3A_349 : i32 to index
      %parallel_loop3A_356 = tpu.vector_load %arg10[%parallel_loop3A_354, %parallel_loop3A_355] {strides = array<i32>} : memref<24x512xf32, #tpu.memory_space<vmem>>, vector<1x16xf32>,
      %parallel_loop3A_357 = vector.shape_cast %parallel_loop3A_356 : vector<1x16xf32> to vector<16xf32>
      %parallel_loop3A_358 = arith.index_cast %parallel_loop3A_271 : i32 to index
      %parallel_loop3A_359 = arith.index_cast %parallel_loop3A_349 : i32 to index
      %parallel_loop3A_360 = tpu.vector_load %arg11[%parallel_loop3A_358, %parallel_loop3A_359] {strides = array<i32>} : memref<24x512xi32, #tpu.memory_space<vmem>>, vector<1x16xi32>,
      %parallel_loop3A_361 = vector.shape_cast %parallel_loop3A_360 : vector<1x16xi32> to vector<16xi32>
      %parallel_loop3A_362 = arith.subf %parallel_loop3A_353, %parallel_loop3A_357 : vector<16xf32>
      %parallel_loop3A_363 = arith.mulf %parallel_loop3A_362, %parallel_loop3A_362 : vector<16xf32>
      %parallel_loop3A_364 = arith.constant 2 : i32
      %parallel_loop3A_365 = vector.broadcast %parallel_loop3A_364 : i32 to vector<16xi32>
      %parallel_loop3A_366 = arith.cmpi eq, %parallel_loop3A_361, %parallel_loop3A_365 : vector<16xi32>
      %parallel_loop3A_367 = arith.select %parallel_loop3A_366, %parallel_loop3A_363, %broadcast_in_dim3A_35 : vector<16xi1>, vector<16xf32>
      %parallel_loop3A_368 = arith.addf %parallel_loop3A_240, %parallel_loop3A_367 : vector<16xf32>
      %parallel_loop3A_369 = arith.constant 1 : i32
      %parallel_loop3A_370 = vector.broadcast %parallel_loop3A_369 : i32 to vector<16xi32>
      %parallel_loop3A_371 = arith.cmpi eq, %parallel_loop3A_361, %parallel_loop3A_370 : vector<16xi32>
      %parallel_loop3A_372 = arith.select %parallel_loop3A_371, %parallel_loop3A_363, %broadcast_in_dim3A_35 : vector<16xi1>, vector<16xf32>
      %parallel_loop3A_373 = arith.addf %parallel_loop3A_241, %parallel_loop3A_372 : vector<16xf32>
      %parallel_loop3A_374 = arith.addi %parallel_loop3A_242, %parallel_loop3A_361 : vector<16xi32>
      %parallel_loop3A_375 = arith.muli %parallel_loop3A_361, %parallel_loop3A_361 : vector<16xi32>
      %parallel_loop3A_376 = arith.addi %parallel_loop3A_243, %parallel_loop3A_375 : vector<16xi32>
      %parallel_loop3A_377 = arith.constant 48 : i32
      %parallel_loop3A_378 = arith.addi %parallel_loop3A_289, %parallel_loop3A_377 : i32
      %parallel_loop3A_379 = arith.index_cast %parallel_loop3A_271 : i32 to index
      %parallel_loop3A_380 = arith.index_cast %parallel_loop3A_378 : i32 to index
      %parallel_loop3A_381 = tpu.vector_load %arg9[%parallel_loop3A_379, %parallel_loop3A_380] {strides = array<i32>} : memref<24x512xf32, #tpu.memory_space<vmem>>, vector<1x16xf32>,
      %parallel_loop3A_382 = vector.shape_cast %parallel_loop3A_381 : vector<1x16xf32> to vector<16xf32>
      %parallel_loop3A_383 = arith.index_cast %parallel_loop3A_271 : i32 to index
      %parallel_loop3A_384 = arith.index_cast %parallel_loop3A_378 : i32 to index
      %parallel_loop3A_385 = tpu.vector_load %arg10[%parallel_loop3A_383, %parallel_loop3A_384] {strides = array<i32>} : memref<24x512xf32, #tpu.memory_space<vmem>>, vector<1x16xf32>,
      %parallel_loop3A_386 = vector.shape_cast %parallel_loop3A_385 : vector<1x16xf32> to vector<16xf32>
      %parallel_loop3A_387 = arith.index_cast %parallel_loop3A_271 : i32 to index
      %parallel_loop3A_388 = arith.index_cast %parallel_loop3A_378 : i32 to index
      %parallel_loop3A_389 = tpu.vector_load %arg11[%parallel_loop3A_387, %parallel_loop3A_388] {strides = array<i32>} : memref<24x512xi32, #tpu.memory_space<vmem>>, vector<1x16xi32>,
      %parallel_loop3A_390 = vector.shape_cast %parallel_loop3A_389 : vector<1x16xi32> to vector<16xi32>
      %parallel_loop3A_391 = arith.subf %parallel_loop3A_382, %parallel_loop3A_386 : vector<16xf32>
      %parallel_loop3A_392 = arith.mulf %parallel_loop3A_391, %parallel_loop3A_391 : vector<16xf32>
      %parallel_loop3A_393 = arith.constant 2 : i32
      %parallel_loop3A_394 = vector.broadcast %parallel_loop3A_393 : i32 to vector<16xi32>
      %parallel_loop3A_395 = arith.cmpi eq, %parallel_loop3A_390, %parallel_loop3A_394 : vector<16xi32>
      %parallel_loop3A_396 = arith.select %parallel_loop3A_395, %parallel_loop3A_392, %broadcast_in_dim3A_35 : vector<16xi1>, vector<16xf32>
      %parallel_loop3A_397 = arith.addf %parallel_loop3A_244, %parallel_loop3A_396 : vector<16xf32>
      %parallel_loop3A_398 = arith.constant 1 : i32
      %parallel_loop3A_399 = vector.broadcast %parallel_loop3A_398 : i32 to vector<16xi32>
      %parallel_loop3A_400 = arith.cmpi eq, %parallel_loop3A_390, %parallel_loop3A_399 : vector<16xi32>
      %parallel_loop3A_401 = arith.select %parallel_loop3A_400, %parallel_loop3A_392, %broadcast_in_dim3A_35 : vector<16xi1>, vector<16xf32>
      %parallel_loop3A_402 = arith.addf %parallel_loop3A_245, %parallel_loop3A_401 : vector<16xf32>
      %parallel_loop3A_403 = arith.addi %parallel_loop3A_246, %parallel_loop3A_390 : vector<16xi32>
      %parallel_loop3A_404 = arith.muli %parallel_loop3A_390, %parallel_loop3A_390 : vector<16xi32>
      %parallel_loop3A_405 = arith.addi %parallel_loop3A_247, %parallel_loop3A_404 : vector<16xi32>
      %parallel_loop3A_406 = arith.constant 64 : i32
      %parallel_loop3A_407 = arith.addi %parallel_loop3A_289, %parallel_loop3A_406 : i32
      %parallel_loop3A_408 = arith.index_cast %parallel_loop3A_271 : i32 to index
      %parallel_loop3A_409 = arith.index_cast %parallel_loop3A_407 : i32 to index
      %parallel_loop3A_410 = tpu.vector_load %arg9[%parallel_loop3A_408, %parallel_loop3A_409] {strides = array<i32>} : memref<24x512xf32, #tpu.memory_space<vmem>>, vector<1x16xf32>,
      %parallel_loop3A_411 = vector.shape_cast %parallel_loop3A_410 : vector<1x16xf32> to vector<16xf32>
      %parallel_loop3A_412 = arith.index_cast %parallel_loop3A_271 : i32 to index
      %parallel_loop3A_413 = arith.index_cast %parallel_loop3A_407 : i32 to index
      %parallel_loop3A_414 = tpu.vector_load %arg10[%parallel_loop3A_412, %parallel_loop3A_413] {strides = array<i32>} : memref<24x512xf32, #tpu.memory_space<vmem>>, vector<1x16xf32>,
      %parallel_loop3A_415 = vector.shape_cast %parallel_loop3A_414 : vector<1x16xf32> to vector<16xf32>
      %parallel_loop3A_416 = arith.index_cast %parallel_loop3A_271 : i32 to index
      %parallel_loop3A_417 = arith.index_cast %parallel_loop3A_407 : i32 to index
      %parallel_loop3A_418 = tpu.vector_load %arg11[%parallel_loop3A_416, %parallel_loop3A_417] {strides = array<i32>} : memref<24x512xi32, #tpu.memory_space<vmem>>, vector<1x16xi32>,
      %parallel_loop3A_419 = vector.shape_cast %parallel_loop3A_418 : vector<1x16xi32> to vector<16xi32>
      %parallel_loop3A_420 = arith.subf %parallel_loop3A_411, %parallel_loop3A_415 : vector<16xf32>
      %parallel_loop3A_421 = arith.mulf %parallel_loop3A_420, %parallel_loop3A_420 : vector<16xf32>
      %parallel_loop3A_422 = arith.constant 2 : i32
      %parallel_loop3A_423 = vector.broadcast %parallel_loop3A_422 : i32 to vector<16xi32>
      %parallel_loop3A_424 = arith.cmpi eq, %parallel_loop3A_419, %parallel_loop3A_423 : vector<16xi32>
      %parallel_loop3A_425 = arith.select %parallel_loop3A_424, %parallel_loop3A_421, %broadcast_in_dim3A_35 : vector<16xi1>, vector<16xf32>
      %parallel_loop3A_426 = arith.addf %parallel_loop3A_310, %parallel_loop3A_425 : vector<16xf32>
      %parallel_loop3A_427 = arith.constant 1 : i32
      %parallel_loop3A_428 = vector.broadcast %parallel_loop3A_427 : i32 to vector<16xi32>
      %parallel_loop3A_429 = arith.cmpi eq, %parallel_loop3A_419, %parallel_loop3A_428 : vector<16xi32>
      %parallel_loop3A_430 = arith.select %parallel_loop3A_429, %parallel_loop3A_421, %broadcast_in_dim3A_35 : vector<16xi1>, vector<16xf32>
      %parallel_loop3A_431 = arith.addf %parallel_loop3A_315, %parallel_loop3A_430 : vector<16xf32>
      %parallel_loop3A_432 = arith.addi %parallel_loop3A_316, %parallel_loop3A_419 : vector<16xi32>
      %parallel_loop3A_433 = arith.muli %parallel_loop3A_419, %parallel_loop3A_419 : vector<16xi32>
      %parallel_loop3A_434 = arith.addi %parallel_loop3A_318, %parallel_loop3A_433 : vector<16xi32>
      %parallel_loop3A_435 = arith.constant 80 : i32
      %parallel_loop3A_436 = arith.addi %parallel_loop3A_289, %parallel_loop3A_435 : i32
      %parallel_loop3A_437 = arith.index_cast %parallel_loop3A_271 : i32 to index
      %parallel_loop3A_438 = arith.index_cast %parallel_loop3A_436 : i32 to index
      %parallel_loop3A_439 = tpu.vector_load %arg9[%parallel_loop3A_437, %parallel_loop3A_438] {strides = array<i32>} : memref<24x512xf32, #tpu.memory_space<vmem>>, vector<1x16xf32>,
      %parallel_loop3A_440 = vector.shape_cast %parallel_loop3A_439 : vector<1x16xf32> to vector<16xf32>
      %parallel_loop3A_441 = arith.index_cast %parallel_loop3A_271 : i32 to index
      %parallel_loop3A_442 = arith.index_cast %parallel_loop3A_436 : i32 to index
      %parallel_loop3A_443 = tpu.vector_load %arg10[%parallel_loop3A_441, %parallel_loop3A_442] {strides = array<i32>} : memref<24x512xf32, #tpu.memory_space<vmem>>, vector<1x16xf32>,
      %parallel_loop3A_444 = vector.shape_cast %parallel_loop3A_443 : vector<1x16xf32> to vector<16xf32>
      %parallel_loop3A_445 = arith.index_cast %parallel_loop3A_271 : i32 to index
      %parallel_loop3A_446 = arith.index_cast %parallel_loop3A_436 : i32 to index
      %parallel_loop3A_447 = tpu.vector_load %arg11[%parallel_loop3A_445, %parallel_loop3A_446] {strides = array<i32>} : memref<24x512xi32, #tpu.memory_space<vmem>>, vector<1x16xi32>,
      %parallel_loop3A_448 = vector.shape_cast %parallel_loop3A_447 : vector<1x16xi32> to vector<16xi32>
      %parallel_loop3A_449 = arith.subf %parallel_loop3A_440, %parallel_loop3A_444 : vector<16xf32>
      %parallel_loop3A_450 = arith.mulf %parallel_loop3A_449, %parallel_loop3A_449 : vector<16xf32>
      %parallel_loop3A_451 = arith.constant 2 : i32
      %parallel_loop3A_452 = vector.broadcast %parallel_loop3A_451 : i32 to vector<16xi32>
      %parallel_loop3A_453 = arith.cmpi eq, %parallel_loop3A_448, %parallel_loop3A_452 : vector<16xi32>
      %parallel_loop3A_454 = arith.select %parallel_loop3A_453, %parallel_loop3A_450, %broadcast_in_dim3A_35 : vector<16xi1>, vector<16xf32>
      %parallel_loop3A_455 = arith.addf %parallel_loop3A_339, %parallel_loop3A_454 : vector<16xf32>
      %parallel_loop3A_456 = arith.constant 1 : i32
      %parallel_loop3A_457 = vector.broadcast %parallel_loop3A_456 : i32 to vector<16xi32>
      %parallel_loop3A_458 = arith.cmpi eq, %parallel_loop3A_448, %parallel_loop3A_457 : vector<16xi32>
      %parallel_loop3A_459 = arith.select %parallel_loop3A_458, %parallel_loop3A_450, %broadcast_in_dim3A_35 : vector<16xi1>, vector<16xf32>
      %parallel_loop3A_460 = arith.addf %parallel_loop3A_344, %parallel_loop3A_459 : vector<16xf32>
      %parallel_loop3A_461 = arith.addi %parallel_loop3A_345, %parallel_loop3A_448 : vector<16xi32>
      %parallel_loop3A_462 = arith.muli %parallel_loop3A_448, %parallel_loop3A_448 : vector<16xi32>
      %parallel_loop3A_463 = arith.addi %parallel_loop3A_347, %parallel_loop3A_462 : vector<16xi32>
      %parallel_loop3A_464 = arith.constant 96 : i32
      %parallel_loop3A_465 = arith.addi %parallel_loop3A_289, %parallel_loop3A_464 : i32
      %parallel_loop3A_466 = arith.index_cast %parallel_loop3A_271 : i32 to index
      %parallel_loop3A_467 = arith.index_cast %parallel_loop3A_465 : i32 to index
      %parallel_loop3A_468 = tpu.vector_load %arg9[%parallel_loop3A_466, %parallel_loop3A_467] {strides = array<i32>} : memref<24x512xf32, #tpu.memory_space<vmem>>, vector<1x16xf32>,
      %parallel_loop3A_469 = vector.shape_cast %parallel_loop3A_468 : vector<1x16xf32> to vector<16xf32>
      %parallel_loop3A_470 = arith.index_cast %parallel_loop3A_271 : i32 to index
      %parallel_loop3A_471 = arith.index_cast %parallel_loop3A_465 : i32 to index
      %parallel_loop3A_472 = tpu.vector_load %arg10[%parallel_loop3A_470, %parallel_loop3A_471] {strides = array<i32>} : memref<24x512xf32, #tpu.memory_space<vmem>>, vector<1x16xf32>,
      %parallel_loop3A_473 = vector.shape_cast %parallel_loop3A_472 : vector<1x16xf32> to vector<16xf32>
      %parallel_loop3A_474 = arith.index_cast %parallel_loop3A_271 : i32 to index
      %parallel_loop3A_475 = arith.index_cast %parallel_loop3A_465 : i32 to index
      %parallel_loop3A_476 = tpu.vector_load %arg11[%parallel_loop3A_474, %parallel_loop3A_475] {strides = array<i32>} : memref<24x512xi32, #tpu.memory_space<vmem>>, vector<1x16xi32>,
      %parallel_loop3A_477 = vector.shape_cast %parallel_loop3A_476 : vector<1x16xi32> to vector<16xi32>
      %parallel_loop3A_478 = arith.subf %parallel_loop3A_469, %parallel_loop3A_473 : vector<16xf32>
      %parallel_loop3A_479 = arith.mulf %parallel_loop3A_478, %parallel_loop3A_478 : vector<16xf32>
      %parallel_loop3A_480 = arith.constant 2 : i32
      %parallel_loop3A_481 = vector.broadcast %parallel_loop3A_480 : i32 to vector<16xi32>
      %parallel_loop3A_482 = arith.cmpi eq, %parallel_loop3A_477, %parallel_loop3A_481 : vector<16xi32>
      %parallel_loop3A_483 = arith.select %parallel_loop3A_482, %parallel_loop3A_479, %broadcast_in_dim3A_35 : vector<16xi1>, vector<16xf32>
      %parallel_loop3A_484 = arith.addf %parallel_loop3A_368, %parallel_loop3A_483 : vector<16xf32>
      %parallel_loop3A_485 = arith.constant 1 : i32
      %parallel_loop3A_486 = vector.broadcast %parallel_loop3A_485 : i32 to vector<16xi32>
      %parallel_loop3A_487 = arith.cmpi eq, %parallel_loop3A_477, %parallel_loop3A_486 : vector<16xi32>
      %parallel_loop3A_488 = arith.select %parallel_loop3A_487, %parallel_loop3A_479, %broadcast_in_dim3A_35 : vector<16xi1>, vector<16xf32>
      %parallel_loop3A_489 = arith.addf %parallel_loop3A_373, %parallel_loop3A_488 : vector<16xf32>
      %parallel_loop3A_490 = arith.addi %parallel_loop3A_374, %parallel_loop3A_477 : vector<16xi32>
      %parallel_loop3A_491 = arith.muli %parallel_loop3A_477, %parallel_loop3A_477 : vector<16xi32>
      %parallel_loop3A_492 = arith.addi %parallel_loop3A_376, %parallel_loop3A_491 : vector<16xi32>
      %parallel_loop3A_493 = arith.constant 112 : i32
      %parallel_loop3A_494 = arith.addi %parallel_loop3A_289, %parallel_loop3A_493 : i32
      %parallel_loop3A_495 = arith.index_cast %parallel_loop3A_271 : i32 to index
      %parallel_loop3A_496 = arith.index_cast %parallel_loop3A_494 : i32 to index
      %parallel_loop3A_497 = tpu.vector_load %arg9[%parallel_loop3A_495, %parallel_loop3A_496] {strides = array<i32>} : memref<24x512xf32, #tpu.memory_space<vmem>>, vector<1x16xf32>,
      %parallel_loop3A_498 = vector.shape_cast %parallel_loop3A_497 : vector<1x16xf32> to vector<16xf32>
      %parallel_loop3A_499 = arith.index_cast %parallel_loop3A_271 : i32 to index
      %parallel_loop3A_500 = arith.index_cast %parallel_loop3A_494 : i32 to index
      %parallel_loop3A_501 = tpu.vector_load %arg10[%parallel_loop3A_499, %parallel_loop3A_500] {strides = array<i32>} : memref<24x512xf32, #tpu.memory_space<vmem>>, vector<1x16xf32>,
      %parallel_loop3A_502 = vector.shape_cast %parallel_loop3A_501 : vector<1x16xf32> to vector<16xf32>
      %parallel_loop3A_503 = arith.index_cast %parallel_loop3A_271 : i32 to index
      %parallel_loop3A_504 = arith.index_cast %parallel_loop3A_494 : i32 to index
      %parallel_loop3A_505 = tpu.vector_load %arg11[%parallel_loop3A_503, %parallel_loop3A_504] {strides = array<i32>} : memref<24x512xi32, #tpu.memory_space<vmem>>, vector<1x16xi32>,
      %parallel_loop3A_506 = vector.shape_cast %parallel_loop3A_505 : vector<1x16xi32> to vector<16xi32>
      %parallel_loop3A_507 = arith.subf %parallel_loop3A_498, %parallel_loop3A_502 : vector<16xf32>
      %parallel_loop3A_508 = arith.mulf %parallel_loop3A_507, %parallel_loop3A_507 : vector<16xf32>
      %parallel_loop3A_509 = arith.constant 2 : i32
      %parallel_loop3A_510 = vector.broadcast %parallel_loop3A_509 : i32 to vector<16xi32>
      %parallel_loop3A_511 = arith.cmpi eq, %parallel_loop3A_506, %parallel_loop3A_510 : vector<16xi32>
      %parallel_loop3A_512 = arith.select %parallel_loop3A_511, %parallel_loop3A_508, %broadcast_in_dim3A_35 : vector<16xi1>, vector<16xf32>
      %parallel_loop3A_513 = arith.addf %parallel_loop3A_397, %parallel_loop3A_512 : vector<16xf32>
      %parallel_loop3A_514 = arith.constant 1 : i32
      %parallel_loop3A_515 = vector.broadcast %parallel_loop3A_514 : i32 to vector<16xi32>
      %parallel_loop3A_516 = arith.cmpi eq, %parallel_loop3A_506, %parallel_loop3A_515 : vector<16xi32>
      %parallel_loop3A_517 = arith.select %parallel_loop3A_516, %parallel_loop3A_508, %broadcast_in_dim3A_35 : vector<16xi1>, vector<16xf32>
      %parallel_loop3A_518 = arith.addf %parallel_loop3A_402, %parallel_loop3A_517 : vector<16xf32>
      %parallel_loop3A_519 = arith.addi %parallel_loop3A_403, %parallel_loop3A_506 : vector<16xi32>
      %parallel_loop3A_520 = arith.muli %parallel_loop3A_506, %parallel_loop3A_506 : vector<16xi32>
      %parallel_loop3A_521 = arith.addi %parallel_loop3A_405, %parallel_loop3A_520 : vector<16xi32>
      scf.yield %parallel_loop3A_426, %parallel_loop3A_431, %parallel_loop3A_432, %parallel_loop3A_434, %parallel_loop3A_455, %parallel_loop3A_460, %parallel_loop3A_461, %parallel_loop3A_463, %parallel_loop3A_484, %parallel_loop3A_489, %parallel_loop3A_490, %parallel_loop3A_492, %parallel_loop3A_513, %parallel_loop3A_518, %parallel_loop3A_519, %parallel_loop3A_521 : vector<16xf32>, vector<16xf32>, vector<16xi32>, vector<16xi32>, vector<16xf32>, vector<16xf32>, vector<16xi32>, vector<16xi32>, vector<16xf32>, vector<16xf32>, vector<16xi32>, vector<16xi32>, vector<16xf32>, vector<16xf32>, vector<16xi32>, vector<16xi32>
    } {sc.loop_unroll_factor = 2 : i64, sc.parallel_access}
    %add3A_195 = arith.addf %parallel_loop3A_194#0, %parallel_loop3A_194#4 : vector<16xf32>
    %add3A_196 = arith.addf %parallel_loop3A_194#1, %parallel_loop3A_194#5 : vector<16xf32>
    %add3A_197 = arith.addi %parallel_loop3A_194#2, %parallel_loop3A_194#6 : vector<16xi32>
    %add3A_198 = arith.addi %parallel_loop3A_194#3, %parallel_loop3A_194#7 : vector<16xi32>
    %add3A_199 = arith.addf %add3A_195, %parallel_loop3A_194#8 : vector<16xf32>
    %add3A_200 = arith.addf %add3A_196, %parallel_loop3A_194#9 : vector<16xf32>
    %add3A_201 = arith.addi %add3A_197, %parallel_loop3A_194#10 : vector<16xi32>
    %add3A_202 = arith.addi %add3A_198, %parallel_loop3A_194#11 : vector<16xi32>
    %add3A_203 = arith.addf %add3A_199, %parallel_loop3A_194#12 : vector<16xf32>
    %add3A_204 = arith.addf %add3A_200, %parallel_loop3A_194#13 : vector<16xf32>
    %add3A_205 = arith.addi %add3A_201, %parallel_loop3A_194#14 : vector<16xi32>
    %add3A_206 = arith.addi %add3A_202, %parallel_loop3A_194#15 : vector<16xi32>
    %swap3A = arith.constant 0 : i32
    %swap3A_207 = arith.index_cast %swap3A : i32 to index
    %swap3A_208 = arith.constant 0 : index
    %swap3A_209 = tpu.vector_load %arg12[%swap3A_207, %swap3A_208] {strides = array<i32>} : memref<4x16xf32, #tpu.memory_space<vmem>>, vector<1x16xf32>,
    %swap3A_210 = vector.shape_cast %swap3A_209 : vector<1x16xf32> to vector<16xf32>
    %swap3A_211 = vector.shape_cast %add3A_203 : vector<16xf32> to vector<1x16xf32>
    tpu.vector_store %arg12[%swap3A_207, %swap3A_208], %swap3A_211 {strides = array<i32>} : memref<4x16xf32, #tpu.memory_space<vmem>>, vector<1x16xf32>,
    %swap3A_212 = arith.constant 1 : i32
    %swap3A_213 = arith.index_cast %swap3A_212 : i32 to index
    %swap3A_214 = arith.constant 0 : index
    %swap3A_215 = tpu.vector_load %arg12[%swap3A_213, %swap3A_214] {strides = array<i32>} : memref<4x16xf32, #tpu.memory_space<vmem>>, vector<1x16xf32>,
    %swap3A_216 = vector.shape_cast %swap3A_215 : vector<1x16xf32> to vector<16xf32>
    %swap3A_217 = vector.shape_cast %add3A_204 : vector<16xf32> to vector<1x16xf32>
    tpu.vector_store %arg12[%swap3A_213, %swap3A_214], %swap3A_217 {strides = array<i32>} : memref<4x16xf32, #tpu.memory_space<vmem>>, vector<1x16xf32>,
    %convert_element_type3A = arith.sitofp %add3A_205 : vector<16xi32> to vector<16xf32>
    %swap3A_218 = arith.constant 2 : i32
    %swap3A_219 = arith.index_cast %swap3A_218 : i32 to index
    %swap3A_220 = arith.constant 0 : index
    %swap3A_221 = tpu.vector_load %arg12[%swap3A_219, %swap3A_220] {strides = array<i32>} : memref<4x16xf32, #tpu.memory_space<vmem>>, vector<1x16xf32>,
    %swap3A_222 = vector.shape_cast %swap3A_221 : vector<1x16xf32> to vector<16xf32>
    %swap3A_223 = vector.shape_cast %convert_element_type3A : vector<16xf32> to vector<1x16xf32>
    tpu.vector_store %arg12[%swap3A_219, %swap3A_220], %swap3A_223 {strides = array<i32>} : memref<4x16xf32, #tpu.memory_space<vmem>>, vector<1x16xf32>,
    %convert_element_type3A_224 = arith.sitofp %add3A_206 : vector<16xi32> to vector<16xf32>
    %swap3A_225 = arith.constant 3 : i32
    %swap3A_226 = arith.index_cast %swap3A_225 : i32 to index
    %swap3A_227 = arith.constant 0 : index
    %swap3A_228 = tpu.vector_load %arg12[%swap3A_226, %swap3A_227] {strides = array<i32>} : memref<4x16xf32, #tpu.memory_space<vmem>>, vector<1x16xf32>,
    %swap3A_229 = vector.shape_cast %swap3A_228 : vector<1x16xf32> to vector<16xf32>
    %swap3A_230 = vector.shape_cast %convert_element_type3A_224 : vector<16xf32> to vector<1x16xf32>
    tpu.vector_store %arg12[%swap3A_226, %swap3A_227], %swap3A_230 {strides = array<i32>} : memref<4x16xf32, #tpu.memory_space<vmem>>, vector<1x16xf32>,
    "tpu.region"() ({
      %run_scoped3A = tpu.sem_alloc : memref<!tpu.dma_semaphore, #tpu.memory_space<semaphore_mem>>
      %dma_start3A_231 = arith.constant 0 : i32
      %dma_start3A_232 = arith.constant 0 : i32
      %dma_start3A_233 = tpu.memref_slice %arg5[%add3A, %dma_start3A_231, %dma_start3A_232] : memref<32x4x16xf32, #tpu.memory_space<hbm>> -> memref<1x4x16xf32, #tpu.memory_space<hbm>>
      %dma_start3A_234 = tpu.memref_squeeze %dma_start3A_233 : memref<1x4x16xf32, #tpu.memory_space<hbm>> -> memref<4x16xf32, #tpu.memory_space<hbm>>
      %dma_start3A_235 = arith.constant 0 : i32
      %dma_start3A_236 = arith.constant 0 : i32
      %dma_start3A_237 = tpu.memref_slice %arg5[%add3A, %dma_start3A_235, %dma_start3A_236] : memref<32x4x16xf32, #tpu.memory_space<hbm>> -> memref<1x4x16xf32, #tpu.memory_space<hbm>>
      %dma_start3A_238 = tpu.memref_squeeze %dma_start3A_237 : memref<1x4x16xf32, #tpu.memory_space<hbm>> -> memref<4x16xf32, #tpu.memory_space<hbm>>
      tpu.enqueue_dma source(%arg12 : memref<4x16xf32, #tpu.memory_space<vmem>>) target(%dma_start3A_238 : memref<4x16xf32, #tpu.memory_space<hbm>>) target_semaphore(%run_scoped3A : memref<!tpu.dma_semaphore, #tpu.memory_space<semaphore_mem>>)
      %dma_wait3A_239 = arith.constant 0 : i32
      %dma_wait3A_240 = arith.constant 0 : i32
      %dma_wait3A_241 = tpu.memref_slice %arg5[%add3A, %dma_wait3A_239, %dma_wait3A_240] : memref<32x4x16xf32, #tpu.memory_space<hbm>> -> memref<1x4x16xf32, #tpu.memory_space<hbm>>
      %dma_wait3A_242 = tpu.memref_squeeze %dma_wait3A_241 : memref<1x4x16xf32, #tpu.memory_space<hbm>> -> memref<4x16xf32, #tpu.memory_space<hbm>>
      %dma_wait3A_243 = arith.constant 0 : i32
      %dma_wait3A_244 = arith.constant 0 : i32
      %dma_wait3A_245 = tpu.memref_slice %arg5[%add3A, %dma_wait3A_243, %dma_wait3A_244] : memref<32x4x16xf32, #tpu.memory_space<hbm>> -> memref<1x4x16xf32, #tpu.memory_space<hbm>>
      %dma_wait3A_246 = tpu.memref_squeeze %dma_wait3A_245 : memref<1x4x16xf32, #tpu.memory_space<hbm>> -> memref<4x16xf32, #tpu.memory_space<hbm>>
      tpu.wait_dma2 semaphore(%run_scoped3A : memref<!tpu.dma_semaphore, #tpu.memory_space<semaphore_mem>>) src(%arg12 : memref<4x16xf32, #tpu.memory_space<vmem>>) dst(%dma_wait3A_246 : memref<4x16xf32, #tpu.memory_space<hbm>>)
      tpu.yield
    }) : () -> ()
    return
  }
}

module attributes {stable_mosaic.version = 14 : i64} {
  func.func @_finalize_body(%arg0: memref<32x4x16xf32, #tpu.memory_space<vmem>>, %arg1: memref<8x4x512xf32, #tpu.memory_space<vmem>>, %arg2: memref<1x1xf32, #tpu.memory_space<vmem>>, %arg3: memref<1x1xi32, #tpu.memory_space<vmem>>, %arg4: memref<8x4xf32, #tpu.memory_space<vmem>>) attributes {dimension_semantics = [], scalar_prefetch = 0 : i64, scratch_operands = 0 : i64, tpu.core_type = #tpu.core_type<tc>} {
    %get3A = arith.constant 0 : index
    %get3A_0 = arith.constant 0 : index
    %get3A_1 = arith.constant 0 : index
    %get3A_2 = vector.load %arg0[%get3A, %get3A_0, %get3A_1] : memref<32x4x16xf32, #tpu.memory_space<vmem>>, vector<32x4x16xf32>
    %reshape3A = vector.shape_cast %get3A_2 : vector<32x4x16xf32> to vector<8x4x4x16xf32>
    %reduce_sum3A = arith.constant dense<0.000000e+00> : vector<8x4x4xf32>
    %reduce_sum3A_3 = vector.multi_reduction <add>, %reshape3A, %reduce_sum3A [3] : vector<8x4x4x16xf32> to vector<8x4x4xf32>
    %reduce_sum3A_4 = arith.constant dense<0.000000e+00> : vector<8x4xf32>
    %reduce_sum3A_5 = vector.multi_reduction <add>, %reduce_sum3A_3, %reduce_sum3A_4 [1] : vector<8x4x4xf32> to vector<8x4xf32>
    %get3A_6 = arith.constant 0 : index
    %get3A_7 = arith.constant 0 : index
    %get3A_8 = arith.constant 0 : index
    %get3A_9 = vector.load %arg1[%get3A_6, %get3A_7, %get3A_8] : memref<8x4x512xf32, #tpu.memory_space<vmem>>, vector<8x4x512xf32>
    %reduce_sum3A_10 = arith.constant dense<0.000000e+00> : vector<8x4xf32>
    %reduce_sum3A_11 = vector.multi_reduction <add>, %get3A_9, %reduce_sum3A_10 [2] : vector<8x4x512xf32> to vector<8x4xf32>
    %add3A = arith.addf %reduce_sum3A_5, %reduce_sum3A_11 : vector<8x4xf32>
    %slice3A = vector.extract_strided_slice %add3A {offsets = [0, 0], sizes = [8, 1], strides = [1, 1]} : vector<8x4xf32> to vector<8x1xf32>
    %slice3A_12 = vector.extract_strided_slice %add3A {offsets = [0, 1], sizes = [8, 1], strides = [1, 1]} : vector<8x4xf32> to vector<8x1xf32>
    %slice3A_13 = vector.extract_strided_slice %add3A {offsets = [0, 2], sizes = [8, 1], strides = [1, 1]} : vector<8x4xf32> to vector<8x1xf32>
    %slice3A_14 = vector.extract_strided_slice %add3A {offsets = [0, 3], sizes = [8, 1], strides = [1, 1]} : vector<8x4xf32> to vector<8x1xf32>
    %sub3A = arith.subf %slice3A_14, %slice3A_13 : vector<8x1xf32>
    %mul3A = arith.constant 5.000000e-01 : f32
    %mul3A_15 = vector.broadcast %mul3A : f32 to vector<8x1xf32>
    %mul3A_16 = arith.mulf %sub3A, %mul3A_15 : vector<8x1xf32>
    %mul3A_17 = arith.constant 2.000000e+00 : f32
    %mul3A_18 = vector.broadcast %mul3A_17 : f32 to vector<8x1xf32>
    %mul3A_19 = arith.mulf %mul3A_18, %slice3A_13 : vector<8x1xf32>
    %sub3A_20 = arith.subf %mul3A_19, %slice3A_14 : vector<8x1xf32>
    %convert_element_type3A = arith.fptosi %mul3A_16 : vector<8x1xf32> to vector<8x1xi32>
    %convert_element_type3A_21 = arith.fptosi %sub3A_20 : vector<8x1xf32> to vector<8x1xi32>
    %mul3A_22 = arith.constant 3.000000e+00 : f32
    %mul3A_23 = vector.broadcast %mul3A_22 : f32 to vector<8x1xf32>
    %mul3A_24 = arith.mulf %mul3A_16, %mul3A_23 : vector<8x1xf32>
    %convert_element_type3A_25 = arith.fptosi %mul3A_24 : vector<8x1xf32> to vector<8x1xi32>
    %add3A_26 = arith.addi %convert_element_type3A_25, %convert_element_type3A : vector<8x1xi32>
    %add3A_27 = arith.addi %convert_element_type3A, %convert_element_type3A_21 : vector<8x1xi32>
    %ge3A = arith.cmpi sge, %add3A_26, %add3A_27 : vector<8x1xi32>
    %le3A = arith.constant 10 : i32
    %le3A_28 = vector.broadcast %le3A : i32 to vector<8x1xi32>
    %le3A_29 = arith.cmpi sle, %convert_element_type3A_25, %le3A_28 : vector<8x1xi32>
    %or3A = arith.ori %ge3A, %le3A_29 : vector<8x1xi1>
    %add3A_30 = arith.addf %slice3A, %slice3A_12 : vector<8x1xf32>
    %add3A_31 = arith.addf %mul3A_16, %sub3A_20 : vector<8x1xf32>
    %div3A = arith.divf %add3A_30, %add3A_31 : vector<8x1xf32>
    %reduce_sum3A_32 = arith.constant dense<0.000000e+00> : vector<1xf32>
    %reduce_sum3A_33 = vector.multi_reduction <add>, %div3A, %reduce_sum3A_32 [0] : vector<8x1xf32> to vector<1xf32>
    %broadcast_in_dim3A = vector.shape_cast %reduce_sum3A_33 : vector<1xf32> to vector<1x1xf32>
    %mul3A_34 = arith.constant 1.250000e-01 : f32
    %mul3A_35 = vector.broadcast %mul3A_34 : f32 to vector<1x1xf32>
    %mul3A_36 = arith.mulf %broadcast_in_dim3A, %mul3A_35 : vector<1x1xf32>
    %swap3A = arith.constant 0 : index
    %swap3A_37 = arith.constant 0 : index
    %swap3A_38 = vector.load %arg2[%swap3A, %swap3A_37] : memref<1x1xf32, #tpu.memory_space<vmem>>, vector<1x1xf32>
    tpu.vector_store %arg2[%swap3A, %swap3A_37], %mul3A_36 {strides = array<i32>} : memref<1x1xf32, #tpu.memory_space<vmem>>, vector<1x1xf32>,
    %not3A = arith.constant dense<true> : vector<8x1xi1>
    %not3A_39 = arith.xori %or3A, %not3A : vector<8x1xi1>
    %convert_element_type3A_40 = arith.extui %not3A_39 : vector<8x1xi1> to vector<8x1xi32>
    %reduce_sum3A_41 = arith.constant dense<0> : vector<1xi32>
    %reduce_sum3A_42 = vector.multi_reduction <add>, %convert_element_type3A_40, %reduce_sum3A_41 [0] : vector<8x1xi32> to vector<1xi32>
    %broadcast_in_dim3A_43 = vector.shape_cast %reduce_sum3A_42 : vector<1xi32> to vector<1x1xi32>
    %swap3A_44 = arith.constant 0 : index
    %swap3A_45 = arith.constant 0 : index
    %swap3A_46 = vector.load %arg3[%swap3A_44, %swap3A_45] : memref<1x1xi32, #tpu.memory_space<vmem>>, vector<1x1xi32>
    tpu.vector_store %arg3[%swap3A_44, %swap3A_45], %broadcast_in_dim3A_43 {strides = array<i32>} : memref<1x1xi32, #tpu.memory_space<vmem>>, vector<1x1xi32>,
    %swap3A_47 = arith.constant 0 : index
    %swap3A_48 = arith.constant 0 : index
    %swap3A_49 = vector.load %arg4[%swap3A_47, %swap3A_48] : memref<8x4xf32, #tpu.memory_space<vmem>>, vector<8x4xf32>
    tpu.vector_store %arg4[%swap3A_47, %swap3A_48], %add3A {strides = array<i32>} : memref<8x4xf32, #tpu.memory_space<vmem>>, vector<8x4xf32>,
    return
  }
}

module attributes {stable_mosaic.version = 14 : i64} {
  func.func @_tc_reduce_body(%arg0: i32, %arg1: memref<2x384x512xf32, #tpu.memory_space<vmem>>, %arg2: memref<2x384x512xf32, #tpu.memory_space<vmem>>, %arg3: memref<2x384x512xi32, #tpu.memory_space<vmem>>, %arg4: memref<2x4x512xf32, #tpu.memory_space<vmem>>) attributes {dimension_semantics = [#tpu.dimension_semantics<arbitrary>], iteration_bounds = array<i64: 4>, scalar_prefetch = 0 : i64, scratch_operands = 0 : i64, tpu.core_type = #tpu.core_type<tc>, window_params = [{transform_indices = @transform_0, window_bounds = array<i64: 2, 384, 512>}, {transform_indices = @transform_1, window_bounds = array<i64: 2, 384, 512>}, {transform_indices = @transform_2, window_bounds = array<i64: 2, 384, 512>}, {transform_indices = @transform_3, window_bounds = array<i64: 2, 4, 512>}]} {
    %get3A = arith.constant 0 : index
    %get3A_0 = arith.constant 0 : index
    %get3A_1 = arith.constant 0 : index
    %get3A_2 = vector.load %arg1[%get3A, %get3A_0, %get3A_1] : memref<2x384x512xf32, #tpu.memory_space<vmem>>, vector<2x384x512xf32>
    %get3A_3 = arith.constant 0 : index
    %get3A_4 = arith.constant 0 : index
    %get3A_5 = arith.constant 0 : index
    %get3A_6 = vector.load %arg2[%get3A_3, %get3A_4, %get3A_5] : memref<2x384x512xf32, #tpu.memory_space<vmem>>, vector<2x384x512xf32>
    %get3A_7 = arith.constant 0 : index
    %get3A_8 = arith.constant 0 : index
    %get3A_9 = arith.constant 0 : index
    %get3A_10 = vector.load %arg3[%get3A_7, %get3A_8, %get3A_9] : memref<2x384x512xi32, #tpu.memory_space<vmem>>, vector<2x384x512xi32>
    %sub3A = arith.subf %get3A_2, %get3A_6 : vector<2x384x512xf32>
    %mul3A = arith.mulf %sub3A, %sub3A : vector<2x384x512xf32>
    %eq3A = arith.constant 2 : i32
    %eq3A_11 = vector.broadcast %eq3A : i32 to vector<2x384x512xi32>
    %eq3A_12 = arith.cmpi eq, %get3A_10, %eq3A_11 : vector<2x384x512xi32>
    %jit3A = arith.constant 0.000000e+00 : f32
    %broadcast_in_dim3A = vector.broadcast %jit3A : f32 to vector<2x384x512xf32>
    %select_n3A = arith.select %eq3A_12, %mul3A, %broadcast_in_dim3A : vector<2x384x512xi1>, vector<2x384x512xf32>
    %eq3A_13 = arith.constant 1 : i32
    %eq3A_14 = vector.broadcast %eq3A_13 : i32 to vector<2x384x512xi32>
    %eq3A_15 = arith.cmpi eq, %get3A_10, %eq3A_14 : vector<2x384x512xi32>
    %jit3A_16 = arith.constant 0.000000e+00 : f32
    %broadcast_in_dim3A_17 = vector.broadcast %jit3A_16 : f32 to vector<2x384x512xf32>
    %select_n3A_18 = arith.select %eq3A_15, %mul3A, %broadcast_in_dim3A_17 : vector<2x384x512xi1>, vector<2x384x512xf32>
    %reduce_sum3A = arith.constant dense<0.000000e+00> : vector<2x512xf32>
    %reduce_sum3A_19 = vector.multi_reduction <add>, %select_n3A, %reduce_sum3A [1] : vector<2x384x512xf32> to vector<2x512xf32>
    %reduce_sum3A_20 = arith.constant dense<0.000000e+00> : vector<2x512xf32>
    %reduce_sum3A_21 = vector.multi_reduction <add>, %select_n3A_18, %reduce_sum3A_20 [1] : vector<2x384x512xf32> to vector<2x512xf32>
    %reduce_sum3A_22 = arith.constant dense<0> : vector<2x512xi32>
    %reduce_sum3A_23 = vector.multi_reduction <add>, %get3A_10, %reduce_sum3A_22 [1] : vector<2x384x512xi32> to vector<2x512xi32>
    %convert_element_type3A = arith.sitofp %reduce_sum3A_23 : vector<2x512xi32> to vector<2x512xf32>
    %mul3A_24 = arith.muli %get3A_10, %get3A_10 : vector<2x384x512xi32>
    %reduce_sum3A_25 = arith.constant dense<0> : vector<2x512xi32>
    %reduce_sum3A_26 = vector.multi_reduction <add>, %mul3A_24, %reduce_sum3A_25 [1] : vector<2x384x512xi32> to vector<2x512xi32>
    %convert_element_type3A_27 = arith.sitofp %reduce_sum3A_26 : vector<2x512xi32> to vector<2x512xf32>
    %stack3A = vector.shape_cast %reduce_sum3A_19 : vector<2x512xf32> to vector<2x1x512xf32>
    %stack3A_28 = vector.shape_cast %reduce_sum3A_21 : vector<2x512xf32> to vector<2x1x512xf32>
    %stack3A_29 = vector.shape_cast %convert_element_type3A : vector<2x512xf32> to vector<2x1x512xf32>
    %stack3A_30 = vector.shape_cast %convert_element_type3A_27 : vector<2x512xf32> to vector<2x1x512xf32>
    %stack3A_31 = tpu.concatenate %stack3A, %stack3A_28, %stack3A_29, %stack3A_30 in 1 : vector<2x1x512xf32>, vector<2x1x512xf32>, vector<2x1x512xf32>, vector<2x1x512xf32> -> vector<2x4x512xf32>
    %swap3A = arith.constant 0 : index
    %swap3A_32 = arith.constant 0 : index
    %swap3A_33 = arith.constant 0 : index
    %swap3A_34 = vector.load %arg4[%swap3A, %swap3A_32, %swap3A_33] : memref<2x4x512xf32, #tpu.memory_space<vmem>>, vector<2x4x512xf32>
    tpu.vector_store %arg4[%swap3A, %swap3A_32, %swap3A_33], %stack3A_31 {strides = array<i32>} : memref<2x4x512xf32, #tpu.memory_space<vmem>>, vector<2x4x512xf32>,
    return
  }
  func.func @transform_0(%arg0: i32) -> (i32, i32, i32) {
    %c0_i32 = arith.constant 0 : i32
    %c0_i32_0 = arith.constant 0 : i32
    %c0_i32_1 = arith.constant 0 : i32
    return %arg0, %c0_i32, %c0_i32_0 : i32, i32, i32
  }
  func.func @transform_1(%arg0: i32) -> (i32, i32, i32) {
    %c0_i32 = arith.constant 0 : i32
    %c0_i32_0 = arith.constant 0 : i32
    %c0_i32_1 = arith.constant 0 : i32
    return %arg0, %c0_i32, %c0_i32_0 : i32, i32, i32
  }
  func.func @transform_2(%arg0: i32) -> (i32, i32, i32) {
    %c0_i32 = arith.constant 0 : i32
    %c0_i32_0 = arith.constant 0 : i32
    %c0_i32_1 = arith.constant 0 : i32
    return %arg0, %c0_i32, %c0_i32_0 : i32, i32, i32
  }
  func.func @transform_3(%arg0: i32) -> (i32, i32, i32) {
    %c0_i32 = arith.constant 0 : i32
    %c0_i32_0 = arith.constant 0 : i32
    %c0_i32_1 = arith.constant 0 : i32
    return %arg0, %c0_i32, %c0_i32_0 : i32, i32, i32
  }
}

module attributes {stable_mosaic.version = 14 : i64} {
  func.func @_topk_body(%arg0: i32, %arg1: memref<1x512x512xf32, #tpu.memory_space<vmem>>, %arg2: memref<1x512x512xf32, #tpu.memory_space<vmem>>, %arg3: memref<1x512x512xi32, #tpu.memory_space<vmem>>, %arg4: memref<1x1x128xf32, #tpu.memory_space<vmem>>) attributes {dimension_semantics = [#tpu.dimension_semantics<arbitrary>], iteration_bounds = array<i64: 8>, scalar_prefetch = 0 : i64, scratch_operands = 0 : i64, tpu.core_type = #tpu.core_type<tc>, window_params = [{transform_indices = @transform_0, window_bounds = array<i64: 1, 512, 512>}, {transform_indices = @transform_1, window_bounds = array<i64: 1, 512, 512>}, {transform_indices = @transform_2, window_bounds = array<i64: 1, 512, 512>}, {transform_indices = @transform_3, window_bounds = array<i64: 1, 1, 128>}]} {
    %get3A = arith.constant 0 : index
    %get3A_0 = arith.constant 0 : index
    %get3A_1 = arith.constant 0 : index
    %get3A_2 = vector.load %arg1[%get3A, %get3A_0, %get3A_1] : memref<1x512x512xf32, #tpu.memory_space<vmem>>, vector<1x512x512xf32>
    %get3A_3 = vector.shape_cast %get3A_2 : vector<1x512x512xf32> to vector<512x512xf32>
    %get3A_4 = arith.constant 0 : index
    %get3A_5 = arith.constant 0 : index
    %get3A_6 = arith.constant 0 : index
    %get3A_7 = vector.load %arg2[%get3A_4, %get3A_5, %get3A_6] : memref<1x512x512xf32, #tpu.memory_space<vmem>>, vector<1x512x512xf32>
    %get3A_8 = vector.shape_cast %get3A_7 : vector<1x512x512xf32> to vector<512x512xf32>
    %get3A_9 = arith.constant 0 : index
    %get3A_10 = arith.constant 0 : index
    %get3A_11 = arith.constant 0 : index
    %get3A_12 = vector.load %arg3[%get3A_9, %get3A_10, %get3A_11] : memref<1x512x512xi32, #tpu.memory_space<vmem>>, vector<1x512x512xi32>
    %get3A_13 = vector.shape_cast %get3A_12 : vector<1x512x512xi32> to vector<512x512xi32>
    %sub3A = arith.subf %get3A_3, %get3A_8 : vector<512x512xf32>
    %mul3A = arith.mulf %sub3A, %sub3A : vector<512x512xf32>
    %bitcast_convert_type3A = tpu.bitcast %mul3A : vector<512x512xf32> -> vector<512x512xi32>
    %eq3A = arith.constant 1 : i32
    %eq3A_14 = vector.broadcast %eq3A : i32 to vector<512x512xi32>
    %eq3A_15 = arith.cmpi eq, %get3A_13, %eq3A_14 : vector<512x512xi32>
    %jit3A = arith.constant -1 : i32
    %broadcast_in_dim3A = vector.broadcast %jit3A : i32 to vector<512x512xi32>
    %select_n3A = arith.select %eq3A_15, %bitcast_convert_type3A, %broadcast_in_dim3A : vector<512x512xi1>, vector<512x512xi32>
    %eq3A_16 = arith.constant 2 : i32
    %eq3A_17 = vector.broadcast %eq3A_16 : i32 to vector<512x512xi32>
    %eq3A_18 = arith.cmpi eq, %get3A_13, %eq3A_17 : vector<512x512xi32>
    %convert_element_type3A = arith.extui %eq3A_18 : vector<512x512xi1> to vector<512x512xi32>
    %reduce_sum3A = vector.shape_cast %convert_element_type3A : vector<512x512xi32> to vector<1x512x512xi32>
    %reduce_sum3A_19 = arith.constant dense<0> : vector<1xi32>
    %reduce_sum3A_20 = vector.multi_reduction <add>, %reduce_sum3A, %reduce_sum3A_19 [1, 2] : vector<1x512x512xi32> to vector<1xi32>
    %reduce_sum3A_21 = vector.shape_cast %reduce_sum3A_20 : vector<1xi32> to vector<1x1x1xi32>
    %reduce_sum3A_22 = vector.extract %reduce_sum3A_21[0, 0, 0] : i32 from vector<1x1x1xi32>
    %convert_element_type3A_23 = arith.sitofp %reduce_sum3A_22 : i32 to f32
    %mul3A_24 = arith.constant 3.000000e+00 : f32
    %mul3A_25 = arith.mulf %convert_element_type3A_23, %mul3A_24 : f32
    %convert_element_type3A_26 = arith.fptosi %mul3A_25 : f32 to i32
    %scan3A = arith.constant 0 : i32
    %scan3A_27 = arith.constant 0 : i32
    %scan3A_28 = arith.constant 31 : i32
    %scan3A_29 = arith.addi %scan3A_27, %scan3A_28 : i32
    %scan3A_30 = arith.constant 1 : i32
    %scan3A_31 = scf.for %scan3A_56 = %scan3A_27 to %scan3A_29 step %scan3A_30 iter_args(%scan3A_57 = %scan3A) -> (i32)  : i32 {
      %sub3A_58 = arith.constant 30 : i32
      %sub3A_59 = arith.subi %sub3A_58, %scan3A_56 : i32
      %shift_left3A = arith.constant 1 : i32
      %shift_left3A_60 = arith.shli %shift_left3A, %sub3A_59 : i32
      %or3A = arith.ori %scan3A_57, %shift_left3A_60 : i32
      %ge3A = vector.broadcast %or3A : i32 to vector<512x512xi32>
      %ge3A_61 = arith.cmpi sge, %select_n3A, %ge3A : vector<512x512xi32>
      %convert_element_type3A_62 = arith.extui %ge3A_61 : vector<512x512xi1> to vector<512x512xi32>
      %reduce_sum3A_63 = vector.shape_cast %convert_element_type3A_62 : vector<512x512xi32> to vector<1x512x512xi32>
      %reduce_sum3A_64 = arith.constant dense<0> : vector<1xi32>
      %reduce_sum3A_65 = vector.multi_reduction <add>, %reduce_sum3A_63, %reduce_sum3A_64 [1, 2] : vector<1x512x512xi32> to vector<1xi32>
      %reduce_sum3A_66 = vector.shape_cast %reduce_sum3A_65 : vector<1xi32> to vector<1x1x1xi32>
      %reduce_sum3A_67 = vector.extract %reduce_sum3A_66[0, 0, 0] : i32 from vector<1x1x1xi32>
      %ge3A_68 = arith.cmpi sge, %reduce_sum3A_67, %convert_element_type3A_26 : i32
      %select_n3A_69 = arith.select %ge3A_68, %or3A, %scan3A_57 : i32
      scf.yield %select_n3A_69 : i32
    }
    %scan3A_32 = arith.constant 31 : i32
    %gt3A = vector.broadcast %scan3A_31 : i32 to vector<512x512xi32>
    %gt3A_33 = arith.cmpi sgt, %select_n3A, %gt3A : vector<512x512xi32>
    %convert_element_type3A_34 = arith.extui %gt3A_33 : vector<512x512xi1> to vector<512x512xi32>
    %reduce_sum3A_35 = vector.shape_cast %convert_element_type3A_34 : vector<512x512xi32> to vector<1x512x512xi32>
    %reduce_sum3A_36 = arith.constant dense<0> : vector<1xi32>
    %reduce_sum3A_37 = vector.multi_reduction <add>, %reduce_sum3A_35, %reduce_sum3A_36 [1, 2] : vector<1x512x512xi32> to vector<1xi32>
    %reduce_sum3A_38 = vector.shape_cast %reduce_sum3A_37 : vector<1xi32> to vector<1x1x1xi32>
    %reduce_sum3A_39 = vector.extract %reduce_sum3A_38[0, 0, 0] : i32 from vector<1x1x1xi32>
    %jit3A_40 = arith.constant 0.000000e+00 : f32
    %broadcast_in_dim3A_41 = vector.broadcast %jit3A_40 : f32 to vector<512x512xf32>
    %select_n3A_42 = arith.select %gt3A_33, %mul3A, %broadcast_in_dim3A_41 : vector<512x512xi1>, vector<512x512xf32>
    %reduce_sum3A_43 = vector.shape_cast %select_n3A_42 : vector<512x512xf32> to vector<1x512x512xf32>
    %reduce_sum3A_44 = arith.constant dense<0.000000e+00> : vector<1xf32>
    %reduce_sum3A_45 = vector.multi_reduction <add>, %reduce_sum3A_43, %reduce_sum3A_44 [1, 2] : vector<1x512x512xf32> to vector<1xf32>
    %reduce_sum3A_46 = vector.shape_cast %reduce_sum3A_45 : vector<1xf32> to vector<1x1x1xf32>
    %reduce_sum3A_47 = vector.extract %reduce_sum3A_46[0, 0, 0] : f32 from vector<1x1x1xf32>
    %bitcast_convert_type3A_48 = arith.bitcast %scan3A_31 : i32 to f32
    %sub3A_49 = arith.subi %convert_element_type3A_26, %reduce_sum3A_39 : i32
    %convert_element_type3A_50 = arith.sitofp %sub3A_49 : i32 to f32
    %mul3A_51 = arith.mulf %convert_element_type3A_50, %bitcast_convert_type3A_48 : f32
    %add3A = arith.addf %reduce_sum3A_47, %mul3A_51 : f32
    %broadcast_in_dim3A_52 = vector.broadcast %add3A : f32 to vector<1x1x128xf32>
    %swap3A = arith.constant 0 : index
    %swap3A_53 = arith.constant 0 : index
    %swap3A_54 = arith.constant 0 : index
    %swap3A_55 = vector.load %arg4[%swap3A, %swap3A_53, %swap3A_54] : memref<1x1x128xf32, #tpu.memory_space<vmem>>, vector<1x1x128xf32>
    tpu.vector_store %arg4[%swap3A, %swap3A_53, %swap3A_54], %broadcast_in_dim3A_52 {strides = array<i32>} : memref<1x1x128xf32, #tpu.memory_space<vmem>>, vector<1x1x128xf32>,
    return
  }
  func.func @transform_0(%arg0: i32) -> (i32, i32, i32) {
    %c0_i32 = arith.constant 0 : i32
    %c0_i32_0 = arith.constant 0 : i32
    %c0_i32_1 = arith.constant 0 : i32
    return %arg0, %c0_i32, %c0_i32_0 : i32, i32, i32
  }
  func.func @transform_1(%arg0: i32) -> (i32, i32, i32) {
    %c0_i32 = arith.constant 0 : i32
    %c0_i32_0 = arith.constant 0 : i32
    %c0_i32_1 = arith.constant 0 : i32
    return %arg0, %c0_i32, %c0_i32_0 : i32, i32, i32
  }
  func.func @transform_2(%arg0: i32) -> (i32, i32, i32) {
    %c0_i32 = arith.constant 0 : i32
    %c0_i32_0 = arith.constant 0 : i32
    %c0_i32_1 = arith.constant 0 : i32
    return %arg0, %c0_i32, %c0_i32_0 : i32, i32, i32
  }
  func.func @transform_3(%arg0: i32) -> (i32, i32, i32) {
    %c0_i32 = arith.constant 0 : i32
    %c0_i32_0 = arith.constant 0 : i32
    %c0_i32_1 = arith.constant 0 : i32
    return %arg0, %c0_i32, %c0_i32_0 : i32, i32, i32
  }
}

</mosaic_0001>

<sc_bundles>
// kernel: kernel.5.cloned.1.call-start
scs
__scs_entry_jumppad:
0x0: {  	(pc) =	sbr.rel $0x88, $3  }
0x1: {  	(tag) =	ssettag $0x0;
	lr =	simm.s32 $0x1  }
0x2: {  	[smem:$0x3F9E] =	sst lr;
	_ =	strace $0xD0000000  }
0x3: {  	_ = 	snop  }
0x4: {  	_ = 	snop  }
0x5: {  	_ = 	snop  }
0x6: {  	_ = 	snop  }
0x7: {  	_ = 	snop  }
__scs_overlays_trampoline_lowered:
0x8: {  	[smem:$0x3FAD] =	sst s0  }
0x9: {  	[smem:$0x3FAE] =	sst s1  }
0xa: {  	[smem:$0x3FAF] =	sst s2  }
0xb: {  	[smem:$0x3FB0] =	sst s3  }
0xc: {  	[smem:$0x3FB1] =	sst s4  }
0xd: {  	[smem:$0x3FB2] =	sst s5  }
0xe: {  	[smem:$0x3FB3] =	sst s6  }
0xf: {  	[smem:$0x3FB4] =	sst s7  }
0x10: {  	[smem:$0x3FB5] =	sst s8  }
0x11: {  	[smem:$0x3FB6] =	sst s9;
	s0 =	simm.s32 @!p0 $0x0  }
0x12: {  	s1 =	sld [smem:$0x3F9C];
	s0 =	simm.s32 @p0 $0x1  }
0x13: {  	[smem:$0x3FB7] =	sst s0;
	s0 =	simm.s32 @!p1 $0x0  }
0x14: {  	s2 =	sld [smem:$0x3F9B];
	s0 =	simm.s32 @p1 $0x1  }
0x15: {  	[smem:$0x3FB8] =	sst s0;
	s0 =	simm.s32 @!p2 $0x0  }
0x16: {  	s3 =	sld [smem:$0x3FDB];
	s0 =	simm.s32 @p2 $0x1  }
0x17: {  	s4 =	simm.s32 $0x1BF5;
	[smem:$0x3FBA] =	sst s0  }
0x18: {  	s0 =	sld [smem:$0x3F9D];
	_ =	swait.ge [sflag:s4], $0x0  }
0x19: {  	s7 =	sld [smem:$0x3F9E]  }
0x1a: {  	s8 =	sadd.s32 $0xFFFFE003, lr  }
0x1b: {  	s9 =	sadd.s32 $0xFFFFFEF7, lr;
	s5 =	simm.s32 $0xFFFFFFFF;
	p2 =	slt.u32 s8, $0xFFFFF086  }
0x1c: {  	p1 =	slt.u32 s9, $0xF7A;
	s5 =	simm.s32 @!p2 $0x0  }
0x1d: {  	s5 =	simm.s32 @p1 $0x1;
	p0 =	seq.s32 s7, s2  }
0x1e: {  	s7 =	smul.u32 @!p0 $0xF7A, s2;
	p2 =	seq.s32 @!p0 s5, $0x0  }
0x1f: {  	s9 =	smul.u32 $0xF7A, s1;
	s8 =	simm.s32 @!p0 $0x1BF5;
	p2 =	por !p2, p0  }
0x20: {  	[sflag:s8] =	ssyncset.s32 @!p0 $0xFFFFF086;
	s6 =	sadd.s32 @!p0 s3, s7;
	s7 =	simm.s32 @!p0 $0x108  }
0x21: {  	s3 =	sadd.s32 s3, s9;
	s6 =	sadd.s32 @!p0 $0x88, s6;
	s7 =	simm.s32 @p2 $0x1082  }
0x22: {  	[simem:s7], [sflag:s8] =	dma.local @!p0 [hbm:s6], $0xF7A  }
0x23: {  	s9 =	sor.u32 $0xD0000000, s2;
	s6 =	simm.s32 $0x108;
	_ =	swait.ge @!p0 [sflag:s8], $0x0  }
0x24: {  	s3 =	sadd.s32 $0x88, s3;
	s6 =	simm.s32 @!p1 $0x1082;
	[sflag:s4] =	ssyncset.s32 $0xFFFFF086  }
0x25: {  	[simem:s6], [sflag:s4] =	dma.local [hbm:s3], $0xF7A  }
0x26: {  	[smem:$0x3F9E] =	sst s1;
	(tag) =	ssettag s2;
	_ =	strace s9  }
0x27: {  	s1 =	sld [smem:$0x3FAE]  }
0x28: {  	s2 =	sld [smem:$0x3FAF]  }
0x29: {  	s4 =	sld [smem:$0x3FB1]  }
0x2a: {  	p0 =	seq.s32 s5, $0x0;
	s5 =	sld [smem:$0x3FB2]  }
0x2b: {  	s6 =	sld [smem:$0x3FB3]  }
0x2c: {  	s7 =	sld [smem:$0x3FB4]  }
0x2d: {  	s3 =	simm.s32 $0x108;
	s8 =	sld [smem:$0x3FB5]  }
0x2e: {  	s3 =	simm.s32 @!p0 $0x1082;
	s9 =	sld [smem:$0x3FB6]  }
0x2f: {  	lr =	sadd.s32 s0, s3;
	s0 =	sld [smem:$0x3FAD]  }
0x30: {  	s3 =	sld [smem:$0x3FB0]  }
0x31: {  	[smem:$0x3FB9] =	sst s10  }
0x32: {  	s10 =	sld [smem:$0x3FB7];
	_ =	sdelay $0x3  }
0x33: {  	p0 =	seq.s32 s10, $0x1;
	s10 =	sld [smem:$0x3FB9];
	_ =	sdelay $0x3  }
0x34: {  	[smem:$0x3FB9] =	sst s10  }
0x35: {  	s10 =	sld [smem:$0x3FB8];
	_ =	sdelay $0x3  }
0x36: {  	p1 =	seq.s32 s10, $0x1;
	s10 =	sld [smem:$0x3FB9];
	_ =	sdelay $0x3  }
0x37: {  	[smem:$0x3FB9] =	sst s10  }
0x38: {  	s10 =	sld [smem:$0x3FBA]  }
0x39: {  	_ = 	snop;
	(pc) =	sbr.ind lr, $3  }
0x3a: {  	_ = 	snop  }
0x3b: {  	_ = 	snop  }
0x3c: {  	p2 =	seq.s32 s10, $0x1;
	s10 =	sld [smem:$0x3FB9]  }
0x3d: {  	_ =	shalt  }
0x3e: {  	_ =	shalt  }
0x3f: {  	_ =	shalt  }
0x40: {  	_ =	shalt  }
0x41: {  	_ =	shalt  }
0x42: {  	_ =	shalt  }
0x43: {  	_ =	shalt  }
0x44: {  	_ =	shalt  }
0x45: {  	_ =	shalt  }
0x46: {  	_ =	shalt  }
0x47: {  	_ =	shalt  }
0x48: {  	_ =	shalt  }
0x49: {  	_ =	shalt  }
0x4a: {  	_ =	shalt  }
0x4b: {  	_ =	shalt  }
0x4c: {  	_ =	shalt  }
0x4d: {  	_ =	shalt  }
0x4e: {  	_ =	shalt  }
0x4f: {  	_ =	shalt  }
0x50: {  	_ =	shalt  }
0x51: {  	_ =	shalt  }
0x52: {  	_ =	shalt  }
0x53: {  	_ =	shalt  }
0x54: {  	_ =	shalt  }
0x55: {  	_ =	shalt  }
0x56: {  	_ =	shalt  }
0x57: {  	_ =	shalt  }
0x58: {  	_ =	shalt  }
0x59: {  	_ =	shalt  }
0x5a: {  	_ =	shalt  }
0x5b: {  	_ =	shalt  }
0x5c: {  	_ =	shalt  }
0x5d: {  	_ =	shalt  }
0x5e: {  	_ =	shalt  }
0x5f: {  	_ =	shalt  }
0x60: {  	_ =	shalt  }
0x61: {  	_ =	shalt  }
0x62: {  	_ =	shalt  }
0x63: {  	_ =	shalt  }
0x64: {  	_ =	shalt  }
0x65: {  	_ =	shalt  }
0x66: {  	_ =	shalt  }
0x67: {  	_ =	shalt  }
0x68: {  	_ =	shalt  }
0x69: {  	_ =	shalt  }
0x6a: {  	_ =	shalt  }
0x6b: {  	_ =	shalt  }
0x6c: {  	_ =	shalt  }
0x6d: {  	_ =	shalt  }
0x6e: {  	_ =	shalt  }
0x6f: {  	_ =	shalt  }
0x70: {  	_ =	shalt  }
0x71: {  	_ =	shalt  }
0x72: {  	_ =	shalt  }
0x73: {  	_ =	shalt  }
0x74: {  	_ =	shalt  }
0x75: {  	_ =	shalt  }
0x76: {  	_ =	shalt  }
0x77: {  	_ =	shalt  }
0x78: {  	_ =	shalt  }
0x79: {  	_ =	shalt  }
0x7a: {  	_ =	shalt  }
0x7b: {  	_ =	shalt  }
0x7c: {  	_ =	shalt  }
0x7d: {  	_ =	shalt  }
0x7e: {  	_ =	shalt  }
0x7f: {  	_ =	shalt  }
0x80: {  	_ =	shalt  }
0x81: {  	_ =	shalt  }
0x82: {  	_ =	shalt  }
0x83: {  	_ =	shalt  }
0x84: {  	_ =	shalt  }
0x85: {  	_ =	shalt  }
0x86: {  	_ =	shalt  }
0x87: {  	_ =	shalt  }
.Lfunc_end0:
.L_simem_size_0:
called_computation_lowered:
.L_overlay_start_0:
0x88: {  	s2 =	sld [smem:$0x3FD9]  }
0x89: {  	s3 =	sld [smem:$0x3FFE];
	_ =	sdelay $0x1  }
0x8a: {  	s1 =	srdreg.scid  }
0x8b: {  	s0 =	sand.u32 $0x1, s1  }
0x8c: {  	s17 =	sshll.u32 s0, $0xA;
	s2 =	sadd.s32 s3, s2  }
0x8d: {  	s2 =	sadd.s32 s2, s17  }
0x8e: {  	[smem:$0x3FC5] =	sst s2  }
0x8f: {  	_ = 	snop  }
0x90: {  	s2 =	sld [smem:$0x3FC9]  }
0x91: {  	s18 =	sld [smem:$0x3FC8]  }
0x92: {  	s4 =	sld [smem:$0x3FC7];
	(tm) =	ssettm $0x1  }
0x93: {  	s5 =	sld [smem:$0x3FFB];
	_ =	sdelay $0x3  }
0x94: {  	_ =	strace s5  }
0x95: {  	s5 =	sld [smem:$0x3FFC];
	_ =	sdelay $0x3  }
0x96: {  	_ =	strace s5  }
0x97: {  	s5 =	sld [smem:$0x3FFD];
	_ =	sdelay $0x3  }
0x98: {  	_ =	strace s5  }
0x99: {  	_ =	strace $0x8FFFFFFF  }
0x9a: {  	s19 =	sld [smem:$0x3FDB];
	_ =	sdelay $0x1  }
0x9b: {  	s6 =	simm.s32 $_scs_section_size  }
0x9c: {  	s7 =	simm.s32 $_size__tile_overlayer_lowered;
	s8 =	simm.s32 $_tile_overlayer_lowered  }
0x9d: {  	s22 =	simm.s32 $0x1BFF;
	s21 =	sshll.u32 s8, $0x1;
	s5 =	sadd.s32 s6, s19  }
0x9e: {  	s9 =	simm.s32 $0x0;
	s20 =	sshll.u32 s7, $0x1;
	s7 =	sadd.s32 s21, s5  }
0x9f: {  	[timem:s9], [sflag:s22] =	dma.local [hbm:s7], s20  }
0xa0: {  	_ =	swait.ge [sflag:s22], s20  }
0xa1: {  	s6 =	ssub.s32 $0x0, s20;
	[sflag:s22] =	ssyncset.done $0x0  }
0xa2: {  	[sflag:s22] =	ssyncadd.s32 s6;
	_ =	sdelay $0x1  }
0xa3: {  	s23 =	simm.s32 $0x1B8B  }
0xa4: {  	_ =	swait.ge [sflag:s23], $0x1  }
0xa5: {  	[sflag:s23] =	ssyncset.done $0x0  }
0xa6: {  	s25 =	simm.s32 $0x1B8E;
	s24 =	sld [smem:$0x3FFE];
	[sflag:s23] =	ssyncadd.s32 $0xFFFFFFFF  }
0xa7: {  	s26 =	simm.s32 $execute0_lowered;
	[smem:$0x3FD2] =	sst s25  }
0xa8: {  	s7 =	sshll.u32 s26, $0x1;
	_ =	strace $0x80000046;
	[dreg:$0x1] =	wrdreg $0xFFFFFFFF  }
0xa9: {  	s28 =	simm.s32 $_size_execute0_lowered;
	s5 =	sadd.s32 s5, s7;
	[dreg:$0x0] =	wrdreg $0x0  }
0xaa: {  	s7 =	sshll.u32 s28, $0x1;
	[dreg:$0x2] =	wrdreg s5  }
0xab: {  	[dreg:$0x3] =	wrdreg s7  }
0xac: {  	[dreg:$0x4] =	wrdreg $0xC0  }
0xad: {  	_ =	task [dreg:s9], $0x5FFFF  }
0xae: {  	[dreg:$0x1] =	wrdreg $0xFFFFFFFF  }
0xaf: {  	[dreg:$0x0] =	wrdreg $0x60  }
0xb0: {  	[dreg:$0x2] =	wrdreg s2  }
0xb1: {  	[dreg:$0x3] =	wrdreg s18  }
0xb2: {  	[dreg:$0x4] =	wrdreg s4  }
0xb3: {  	[dreg:$0x5] =	wrdreg s24  }
0xb4: {  	[dreg:$0x6] =	wrdreg $0x9  }
0xb5: {  	_ =	task.clear_ibuf [dreg:s9], $0x7FFFF;
	_ =	strace $0x90000046  }
0xb6: {  	s29 =	simm.s32 $0x9;
	_ =	strace $0x80000048  }
0xb7: {  	_ =	swait.ge [sflag:s29], $0x1  }
0xb8: {  	[sflag:s29] =	ssyncadd.s32 $0xFFFFFFFF  }
0xb9: {  	_ =	strace $0x90000048  }
0xba: {  	_ =	sfence  }
0xbb: {  	s30 =	sld [smem:$0x0];
	_ =	sdelay $0x2  }
0xbc: {  	s31 =	sshll.u32 s1, $0xD;
	s1 =	sshrl.u32 s1, $0x2  }
0xbd: {  	s3 =	sand.u32 $0x4000, s31;
	s1 =	sadd.s32 s1, s30  }
0xbe: {  	s0 =	sor.u32 s3, s0;
	s1 =	sshll.u32 s1, $0x11  }
0xbf: {  	s0 =	sor.u32 s1, s0  }
0xc0: {  	s0 =	sadd.s32 $0x8F2B, s0  }
0xc1: {  	[sflag:s0] =	ssyncadd.remote.s32 $0x1  }
0xc2: {  	_ =	sfence.sel $0xFFFF  }
0xc3: {  	[dreg:$0x0] =	wrdreg $0xFFFFFFFF;
	(pc) =	sbr.abs _section_cstart, $3  }
0xc4: {  	[dreg:$0x1] =	wrdreg $0xFFFFFFFF  }
0xc5: {  	_ =	task.clear_ibuf [dreg:s9], $0x2FFFF;
	_ =	strace $0x9FFFFFFF  }
0xc6: {  	(tm) =	ssettm $0x7FFFFFFF  }
0xc7: {  	_ =	shalt  }
tec
execute0_lowered:
.L_overlay_start_1:
0x0: {  	(tag) =	ssettag $0x1  }
0x1: {  	s6 =	rddreg [dreg:$0x0]  }
0x2: {  	s7 =	rddreg [dreg:$0x1]  }
0x3: {  	s1 =	srdreg.scid;
	s8 =	rddreg [dreg:$0x2]  }
0x4: {  	s0 =	stileid.u32;
	s4 =	rddreg [dreg:$0x3]  }
0x5: {  	s2 =	simm.s32 $0x0;
	s13 =	simm.s32 $0x9000;
	s14 =	simm.s32 $0xC000  }
0x6: {  	s15 =	simm.s32 $0xF000;
	s16 =	simm.s32 $0x1;
	s17 =	simm.s32 $0x2  }
0x7: {  	s18 =	simm.s32 $0x12000;
	s19 =	simm.s32 $0x3;
	s20 =	simm.s32 $0x0  }
0x8: {  	s3 =	sand.u32 $0x1, s1;
	s30 =	sshll.u32 s0, $0x1;
	s1 =	rddreg [dreg:$0x4]  }
0x9: {  	[smem:$0x7FF] =	sst s2;
	s10 =	sshll.u32 s0, $0xE;
	s5 =	sor.u32 s3, s30  }
0xa: {  	_ =	strace $0x80000047;
	s3 =	ssub.s32 $0x2, s3;
	s9 =	sshll.u32 s5, $0xB  }
0xb: {  	s5 =	sshll.u32 s5, $0x6;
	s31 =	sshrl.u32 s3, $0x1;
	s9 =	sand.u32 $0x1800, s9  }
0xc: {  	s12 =	sadd.s32 s5, s4;
	s9 =	sor.u32 s10, s9;
	s10 =	ssub.s32 s3, s31  }
0xd: {  	s11 =	sor.u32 $0x6000, s9;
	s9 =	sor.u32 $0x6600, s9;
	s10 =	smax.u32 s10, $0x1  }
0xe: {  	s3 =	sadd.s32 s6, s11;
	s4 =	sadd.s32 s7, s11;
	s5 =	sadd.s32 s8, s11  }
0xf: {  	s6 =	sadd.s32 s6, s9;
	s7 =	sadd.s32 s7, s9;
	s8 =	sadd.s32 s8, s9  }
0x10: {  	s9 =	sadd.s32 $0xA00, s12;
	s11 =	simm.s32 $0x3000;
	s12 =	simm.s32 $0x6000  }
.LBB2_1:
0x11: {  	[tilespmem:s2], [sflag:$0x1] =	stream.linear.gather [hbm4b:s3+s2], $0x3000, $0x38;
	[tilespmem:$0x12200] =	vst v63  }
0x12: {  	_ = 	snop  }
0x13: {  	[tilespmem:s11], [sflag:$0x1] =	stream.linear.gather [hbm4b:s4+s2], $0x3000, $0x38;
	[tilespmem:$0x12200] =	vst v63  }
0x14: {  	_ = 	snop  }
0x15: {  	[tilespmem:s12], [sflag:$0x1] =	stream.linear.gather [hbm4b:s5+s2], $0x3000, $0x38;
	[tilespmem:$0x12200] =	vst v63  }
0x16: {  	_ = 	snop  }
0x17: {  	[tilespmem:s13], [sflag:$0x2] =	stream.linear.gather [hbm4b:s6+s2], $0x1000, $0x38;
	[tilespmem:$0x12200] =	vst v63  }
0x18: {  	_ = 	snop  }
0x19: {  	[tilespmem:s14], [sflag:$0x2] =	stream.linear.gather [hbm4b:s7+s2], $0x1000, $0x38;
	[tilespmem:$0x12200] =	vst v63  }
0x1a: {  	_ = 	snop  }
0x1b: {  	[tilespmem:s15], [sflag:$0x2] =	stream.linear.gather [hbm4b:s8+s2], $0x1000, $0x38;
	[tilespmem:$0x12200] =	vst v63  }
0x1c: {  	_ =	swait.ge [sflag:s16], $0x3000  }
0x1d: {  	[sflag:s16] =	ssyncset.done $0x0  }
0x1e: {  	[sflag:s16] =	ssyncadd.s32 $0xFFFFD000  }
0x1f: {  	_ =	swait.ge [sflag:s16], $0x3000  }
0x20: {  	[sflag:s16] =	ssyncset.done $0x0  }
0x21: {  	s21 =	simm.s32 $0x0;
	s22 =	sand.u32 $0xC00, s2;
	[sflag:s16] =	ssyncadd.s32 $0xFFFFD000  }
0x22: {  	s23 =	simm.s32 $0x0;
	s21 =	sand.u32 $0x3000, s21;
	_ =	swait.ge [sflag:s16], $0x3000  }
0x23: {  	s31 =	sand.u32 $0x380, s23;
	s21 =	sor.u32 s22, s21;
	[sflag:s16] =	ssyncset.done $0x0  }
0x24: {  	s21 =	sor.u32 s31, s21;
	[sflag:s16] =	ssyncadd.s32 $0xFFFFD000  }
0x25: {  	v0 =	vld [tilespmem:s21+$0x40]  }
0x26: {  	v4 =	vld [tilespmem:s21+$0x6040]  }
0x27: {  	v1 =	vld [tilespmem:s21+$0x3040]  }
0x28: {  	v8 =	vld [tilespmem:s21+$0x6070]  }
0x29: {  	v10 =	vld [tilespmem:s21+$0x3030]  }
0x2a: {  	v5 =	vld [tilespmem:s21+$0x6000]  }
0x2b: {  	v12 =	vld [tilespmem:s21+$0x3020]  }
0x2c: {  	v13 =	vld [tilespmem:s21+$0x3060]  }
0x2d: {  	v7 =	vld [tilespmem:s21+$0x6050]  }
0x2e: {  	v14 =	vld [tilespmem:s21+$0x3050]  }
0x2f: {  	v15 =	vld [tilespmem:s21+$0x30]  }
0x30: {  	v18 =	vld [tilespmem:s21+$0x50]  }
0x31: {  	v19 =	vld [tilespmem:s21+$0x6010]  }
0x32: {  	v16 =	vimm.f32 $0.0e+00;
	v9 =	vimm.s32 $0x0;
	v20 =	vld [tilespmem:s21+$0x20]  }
0x33: {  	v25 =	vimm.f32 $0.0e+00;
	v27 =	vld [tilespmem:s21+$0x6030];
	v0 =	vsub.f32 v0, v1;
	v17 =	vmul.u32 v4, v4  }
0x34: {  	v21 =	vld [tilespmem:s21+$0x60];
	v3 =	vmul.u32 v8, v8;
	vm2 =	veq.s32 v8, $0x2;
	vm0 =	veq.s32 v4, $0x1  }
0x35: {  	vm1 =	veq.s32 v5, $0x1;
	vm3 =	veq.s32 v4, $0x2;
	v6 =	vadd.s32 v9, v5  }
0x36: {  	v11 =	vmul.u32 v5, v5;
	vm4 =	veq.s32 v8, $0x1;
	vm5 =	veq.s32 v7, $0x2  }
0x37: {  	vm6 =	veq.s32 v19, $0x2;
	v23 =	vmul.u32 v19, v19;
	v28 =	vsub.f32 v18, v14  }
0x38: {  	v10 =	vsub.f32 v15, v10;
	v26 =	vadd.s32 v9, v19;
	v12 =	vsub.f32 v20, v12  }
0x39: {  	v30 =	vsub.f32 v21, v13;
	vm11 =	veq.s32 v27, $0x1;
	vm9 =	veq.s32 v19, $0x1  }
0x3a: {  	vm12 =	veq.s32 v27, $0x2;
	v18 =	vimm.f32 $0.0e+00;
	v20 =	vimm.f32 $0.0e+00  }
0x3b: {  	v24 =	vld [tilespmem:s21+$0x10];
	v19 =	vimm.s32 $0x0;
	v13 =	vimm.s32 $0x0;
	v2 =	vmul.f32 v0, v0  }
0x3c: {  	v1 =	vld [tilespmem:s21+$0x6060];
	v15 =	vimm.f32 $0.0e+00;
	v14 =	vimm.f32 $0.0e+00;
	v4 =	vadd.s32 v4, v6  }
0x3d: {  	v6 =	vmul.u32 v7, v7;
	v22 =	vadd.s32 v9, v11;
	v11 =	vld [tilespmem:s21+$0x6020];
	v0 =	vnsel vm0, $0x0, v2  }
0x3e: {  	vm0 =	vmmov vm1;
	vm1 =	veq.s32 v5, $0x2;
	v5 =	vadd.s32 v17, v22;
	v22 =	vld [tilespmem:s21+$0x3010]  }
0x3f: {  	v35 =	vmul.f32 v10, v10;
	v33 =	vmul.f32 v12, v12;
	v10 =	vimm.s32 $0x0  }
0x40: {  	v12 =	vimm.s32 $0x0;
	v2 =	vnsel vm3, $0x0, v2;
	vm3 =	veq.s32 v7, $0x1  }
0x41: {  	v32 =	vld [tilespmem:s21+$0x3070];
	v29 =	vnsel vm12, $0x0, v35;
	vm1 =	vmmov vm1;
	vm7 =	veq.s32 v1, $0x2  }
0x42: {  	v34 =	vld [tilespmem:s21+$0x70];
	v17 =	vmul.u32 v1, v1;
	vm8 =	veq.s32 v1, $0x1;
	vm10 =	veq.s32 v11, $0x1  }
0x43: {  	s24 =	simm.s32 $0x1;
	s22 =	simm.s32 $0x0;
	v21 =	vld [tilespmem:s21+$0x3000];
	v31 =	vsub.f32 v24, v22;
	v24 =	vimm.f32 $0.0e+00;
	v22 =	vimm.f32 $0.0e+00  }
.LBB2_2:
0x44: {  	s25 =	sshll.u32 s24, $0x7  }
0x45: {  	vm12 =	veq.s32 v11, $0x2;
	v35 =	vnsel vm11, $0x0, v35;
	v36 =	vmul.u32 v27, v27;
	s22 =	sadd.s32 $0x400, s22;
	s26 =	smov.u32 s24;
	s23 =	sadd.s32 $0x1, s24  }
0x46: {  	v9 =	vadd.s32 v9, v27;
	v27 =	vmul.f32 v30, v30;
	s28 =	sand.u32 $0xC00, s22;
	s25 =	sand.u32 $0x3000, s25;
	s26 =	sshll.u32 s26, $0x5;
	v37 =	vnsel vm12, $0x0, v33  }
0x47: {  	p0 =	sne.s32 s24, $0x5F;
	v30 =	vnsel vm10, $0x0, v33;
	s25 =	sor.u32 s28, s25;
	s26 =	sand.u32 $0x380, s26;
	v16 =	vadd.f32 v37, v16;
	v32 =	vsub.f32 v34, v32  }
0x48: {  	v31 =	vmul.f32 v31, v31;
	v9 =	vadd.s32 v8, v9;
	v34 =	vnsel vm7, $0x0, v27;
	v33 =	vld [tilespmem:s21+$0x0];
	s21 =	sor.u32 s26, s25  }
0x49: {  	v24 =	vadd.f32 v29, v24;
	v28 =	vmul.f32 v28, v28;
	v27 =	vnsel vm8, $0x0, v27;
	v37 =	vld [tilespmem:s21+$0x40]  }
0x4a: {  	v38 =	vnsel vm6, $0x0, v31;
	v31 =	vnsel vm9, $0x0, v31;
	v32 =	vmul.f32 v32, v32;
	v29 =	vld [tilespmem:s21+$0x6040]  }
0x4b: {  	v25 =	vadd.f32 v35, v25;
	v18 =	vadd.f32 v30, v18;
	v30 =	vnsel vm5, $0x0, v28;
	v39 =	vld [tilespmem:s21+$0x3040]  }
0x4c: {  	v26 =	vadd.s32 v7, v26;
	v20 =	vadd.f32 v38, v20;
	v35 =	vnsel vm4, $0x0, v32;
	v8 =	vld [tilespmem:s21+$0x6070]  }
0x4d: {  	v28 =	vnsel vm3, $0x0, v28;
	v7 =	vnsel vm2, $0x0, v32;
	v38 =	vld [tilespmem:s21+$0x3030];
	v33 =	vsub.f32 v33, v21  }
0x4e: {  	v22 =	vadd.f32 v31, v22;
	v16 =	vadd.f32 v34, v16;
	v21 =	vmul.u32 v11, v11;
	v32 =	vld [tilespmem:s21+$0x6000]  }
0x4f: {  	v19 =	vadd.s32 v19, v23;
	v18 =	vadd.f32 v27, v18;
	v24 =	vadd.f32 v7, v24;
	v31 =	vld [tilespmem:s21+$0x3020]  }
0x50: {  	v12 =	vadd.s32 v12, v36;
	v10 =	vadd.s32 v10, v21;
	v23 =	vsub.f32 v37, v39;
	v34 =	vld [tilespmem:s21+$0x3060]  }
0x51: {  	v20 =	vadd.f32 v30, v20;
	v36 =	vmul.u32 v29, v29;
	v7 =	vld [tilespmem:s21+$0x6050];
	v27 =	vmul.u32 v8, v8  }
0x52: {  	v10 =	vadd.s32 v17, v10;
	vm2 =	veq.s32 v8, $0x2;
	v23 =	vmul.f32 v23, v23;
	v30 =	vld [tilespmem:s21+$0x3050]  }
0x53: {  	v25 =	vadd.f32 v35, v25;
	vm3 =	veq.s32 v29, $0x1;
	vm6 =	veq.s32 v32, $0x1;
	v37 =	vld [tilespmem:s21+$0x30]  }
0x54: {  	v12 =	vadd.s32 v3, v12;
	vm4 =	veq.s32 v29, $0x2;
	v3 =	vmovc v27;
	v21 =	vld [tilespmem:s21+$0x3000];
	v35 =	vnsel vm3, $0x0, v23  }
0x55: {  	v19 =	vadd.s32 v6, v19;
	v22 =	vadd.f32 v28, v22;
	v4 =	vadd.s32 v4, v32;
	v17 =	vld [tilespmem:s21+$0x6060]  }
0x56: {  	v11 =	vadd.s32 v13, v11;
	v39 =	vnsel vm4, $0x0, v23;
	v4 =	vadd.s32 v29, v4;
	v28 =	vld [tilespmem:s21+$0x50]  }
0x57: {  	v33 =	vmul.f32 v33, v33;
	v23 =	vmul.u32 v32, v32;
	v6 =	vmul.u32 v7, v7;
	v29 =	vld [tilespmem:s21+$0x6010]  }
0x58: {  	v13 =	vadd.s32 v1, v11;
	vm4 =	veq.s32 v8, $0x1;
	vm3 =	veq.s32 v7, $0x1;
	v40 =	vld [tilespmem:s21+$0x20]  }
0x59: {  	v11 =	vnsel vm0, $0x0, v33;
	vm0 =	vmmov vm6;
	vm5 =	veq.s32 v7, $0x2;
	v27 =	vld [tilespmem:s21+$0x6030]  }
0x5a: {  	v15 =	vadd.f32 v11, v15;
	vm6 =	veq.s32 v32, $0x2;
	v5 =	vadd.s32 v5, v23;
	v32 =	vld [tilespmem:s21+$0x60];
	v1 =	vmovc v17  }
0x5b: {  	v33 =	vnsel vm1, $0x0, v33;
	vm1 =	vmmov vm6;
	v5 =	vadd.s32 v36, v5;
	v11 =	vld [tilespmem:s21+$0x6020]  }
0x5c: {  	vm7 =	veq.s32 v1, $0x2;
	v36 =	vld [tilespmem:s21+$0x3010];
	vm6 =	veq.s32 v29, $0x2;
	v23 =	vmul.u32 v29, v29  }
0x5d: {  	v15 =	vadd.f32 v0, v15;
	v0 =	vmovc v35;
	v28 =	vsub.f32 v28, v30;
	v17 =	vmul.u32 v17, v1;
	v41 =	vld [tilespmem:s21+$0x10]  }
.Ltmp0:
0x5e: {  	v14 =	vadd.f32 v33, v14;
	v35 =	vsub.f32 v37, v38;
	vm8 =	veq.s32 v1, $0x1;
	(pc) =	sbr.rel @p0 .LBB2_2-.Ltmp0, $4  }
0x5f: {  	v26 =	vadd.s32 v26, v29;
	v33 =	vsub.f32 v40, v31;
	v30 =	vsub.f32 v32, v34;
	v32 =	vld [tilespmem:s21+$0x3070]  }
0x60: {  	v35 =	vmul.f32 v35, v35;
	vm11 =	veq.s32 v27, $0x1;
	vm10 =	veq.s32 v11, $0x1;
	v34 =	vld [tilespmem:s21+$0x70]  }
0x61: {  	v14 =	vadd.f32 v2, v14;
	v2 =	vmovc v39;
	vm9 =	veq.s32 v29, $0x1;
	vm12 =	veq.s32 v27, $0x2  }
0x62: {  	s24 =	smov.u32 s23;
	v33 =	vmul.f32 v33, v33;
	v29 =	vnsel vm12, $0x0, v35;
	v31 =	vsub.f32 v41, v36  }
0x63: {  	v36 =	vld [tilespmem:s21+$0x0];
	_ =	swait.ge [sflag:s17], $0x1000  }
0x64: {  	[sflag:s17] =	ssyncset.done $0x0  }
0x65: {  	[sflag:s17] =	ssyncadd.s32 $0xFFFFF000  }
0x66: {  	vm12 =	veq.s32 v11, $0x2;
	_ =	swait.ge [sflag:s17], $0x1000  }
0x67: {  	v35 =	vnsel vm11, $0x0, v35;
	v9 =	vadd.s32 v9, v27;
	v27 =	vmul.u32 v27, v27;
	[sflag:s17] =	ssyncset.done $0x0  }
0x68: {  	v30 =	vmul.f32 v30, v30;
	v26 =	vadd.s32 v7, v26;
	v37 =	vnsel vm12, $0x0, v33;
	[sflag:s17] =	ssyncadd.s32 $0xFFFFF000  }
0x69: {  	s21 =	simm.s32 $0x0;
	s22 =	simm.s32 $0x0;
	v53 =	vnsel vm10, $0x0, v33;
	v31 =	vmul.f32 v31, v31;
	v55 =	vadd.s32 v8, v9;
	_ =	swait.ge [sflag:s17], $0x1000  }
0x6a: {  	s23 =	sand.u32 $0xC00, s21;
	s22 =	sand.u32 $0x380, s22;
	v9 =	vadd.f32 v29, v24;
	v8 =	vmul.f32 v28, v28;
	v25 =	vadd.f32 v35, v25;
	[sflag:s17] =	ssyncset.done $0x0  }
0x6b: {  	v16 =	vadd.f32 v37, v16;
	v32 =	vsub.f32 v34, v32;
	v54 =	vnsel vm7, $0x0, v30;
	s22 =	sor.u32 s22, s23;
	[sflag:s17] =	ssyncadd.s32 $0xFFFFF000  }
0x6c: {  	v24 =	vnsel vm8, $0x0, v30;
	v18 =	vadd.f32 v53, v18;
	v28 =	vnsel vm6, $0x0, v31;
	v29 =	vld [tilespmem:s22+$0xF050]  }
0x6d: {  	v30 =	vnsel vm9, $0x0, v31;
	v57 =	vnsel vm5, $0x0, v8;
	v38 =	vnsel vm3, $0x0, v8;
	v56 =	vld [tilespmem:s22+$0xF040]  }
0x6e: {  	v31 =	vmul.f32 v32, v32;
	v20 =	vadd.f32 v28, v20;
	v22 =	vadd.f32 v30, v22;
	v28 =	vld [tilespmem:s22+$0xF000]  }
0x6f: {  	v30 =	vmul.u32 v11, v11;
	v7 =	vadd.f32 v54, v16;
	v21 =	vsub.f32 v36, v21;
	v59 =	vld [tilespmem:s22+$0xC040]  }
0x70: {  	v16 =	vadd.s32 v19, v23;
	v8 =	vadd.f32 v24, v18;
	v24 =	vadd.s32 v12, v27;
	v39 =	vld [tilespmem:s22+$0xC050]  }
0x71: {  	v18 =	vadd.s32 v10, v30;
	v10 =	vadd.f32 v57, v20;
	v20 =	vmul.f32 v21, v21;
	v19 =	vld [tilespmem:s22+$0xC000]  }
0x72: {  	v11 =	vadd.s32 v13, v11;
	v24 =	vadd.s32 v3, v24;
	v6 =	vadd.s32 v6, v16;
	v23 =	vld [tilespmem:s22+$0xC030]  }
0x73: {  	v58 =	vnsel vm4, $0x0, v31;
	v17 =	vadd.s32 v17, v18;
	v21 =	vld [tilespmem:s22+$0xF030];
	v18 =	vnsel vm0, $0x0, v20  }
0x74: {  	v12 =	vadd.f32 v58, v25;
	v25 =	vld [tilespmem:s22+$0x9040];
	v20 =	vnsel vm1, $0x0, v20;
	v13 =	vadd.f32 v18, v15  }
0x75: {  	v31 =	vnsel vm2, $0x0, v31;
	v3 =	vadd.f32 v38, v22;
	v22 =	vld [tilespmem:s22+$0xC010];
	v14 =	vadd.f32 v20, v14  }
0x76: {  	v9 =	vadd.f32 v31, v9;
	v16 =	vld [tilespmem:s22+$0x9000];
	v15 =	vadd.s32 v1, v11;
	v13 =	vadd.f32 v0, v13  }
0x77: {  	v61 =	vld [tilespmem:s22+$0xF010];
	v11 =	vadd.f32 v2, v14;
	v1 =	vmul.u32 v28, v28;
	v0 =	vadd.s32 v4, v28  }
0x78: {  	s31 =	sand.u32 $0x3, s21;
	v60 =	vld [tilespmem:s22+$0xC020];
	v2 =	vmul.u32 v56, v56;
	vm3 =	veq.s32 v56, $0x2;
	vm4 =	veq.s32 v56, $0x1  }
0x79: {  	s23 =	sshll.u32 s31, $0xA;
	v18 =	vld [tilespmem:s22+$0xF020];
	vm0 =	veq.s32 v29, $0x2;
	vm6 =	veq.s32 v28, $0x2;
	vm7 =	veq.s32 v28, $0x1  }
0x7a: {  	s23 =	sadd.s32 $0x0, s23;
	v4 =	vld [tilespmem:s22+$0x9050];
	vm2 =	veq.s32 v21, $0x1;
	v14 =	vsub.f32 v25, v59;
	vm1 =	veq.s32 v21, $0x2  }
0x7b: {  	s24 =	sor.u32 $0x70, s23;
	v30 =	vld [tilespmem:s22+$0x9030];
	v19 =	vsub.f32 v16, v19;
	v1 =	vadd.s32 v5, v1;
	v5 =	vmul.u32 v21, v21  }
0x7c: {  	v62 =	vld [tilespmem:s24+$0xC000];
	vm15 =	veq.s32 v29, $0x1;
	v26 =	vadd.s32 v26, v61;
	vm5 =	veq.s32 v61, $0x2  }
0x7d: {  	v0 =	vadd.s32 v56, v0;
	v2 =	vadd.s32 v2, v1;
	v1 =	vadd.s32 v24, v5;
	v5 =	vld [tilespmem:s22+$0x9010]  }
0x7e: {  	v63 =	vld [tilespmem:s22+$0x9020];
	v27 =	vadd.s32 v15, v18;
	v15 =	vmul.u32 v18, v18;
	v28 =	vmul.f32 v14, v14  }
0x7f: {  	s23 =	sor.u32 $0x60, s23;
	v25 =	vld [tilespmem:s24+$0x9000];
	v21 =	vadd.s32 v55, v21;
	v14 =	vmul.u32 v61, v61;
	v4 =	vsub.f32 v4, v39  }
0x80: {  	v16 =	vld [tilespmem:s23+$0xF000];
	v19 =	vmul.f32 v19, v19;
	v24 =	vnsel vm4, $0x0, v28;
	vm4 =	veq.s32 v61, $0x1  }
0x81: {  	v28 =	vnsel vm3, $0x0, v28;
	v20 =	vmul.f32 v4, v4;
	v4 =	vadd.s32 v29, v26  }
0x82: {  	v31 =	vsub.f32 v5, v22;
	v5 =	vadd.s32 v17, v15;
	v15 =	vmul.u32 v29, v29;
	v29 =	vld [tilespmem:s24+$0xF000]  }
0x83: {  	vm3 =	veq.s32 v18, $0x2;
	v32 =	vnsel vm6, $0x0, v19;
	v17 =	vsub.f32 v30, v23  }
0x84: {  	v33 =	vnsel vm7, $0x0, v19;
	v22 =	vld [tilespmem:s23+$0x9000];
	v30 =	vsub.f32 v25, v62;
	v25 =	vsub.f32 v63, v60  }
0x85: {  	s22 =	simm.s32 $0x400;
	v23 =	vld [tilespmem:s23+$0xC000];
	v19 =	vnsel vm15, $0x0, v20;
	s23 =	simm.s32 $0xFFFFFC20;
	s24 =	simm.s32 $0x0;
	v26 =	vmul.f32 v17, v17;
	v17 =	vmul.u32 v16, v16  }
.LBB2_4:
0x86: {  	s25 =	sadd.s32 $0x400, s23;
	v13 =	vadd.f32 v33, v13;
	v31 =	vmul.f32 v31, v31;
	v27 =	vadd.s32 v16, v27;
	s21 =	sadd.s32 $0x20, s21;
	s24 =	sadd.s32 $0x1, s24  }
0x87: {  	s26 =	sand.u32 $0xC00, s22;
	p0 =	sne.s32 s22, $0x7C00;
	v11 =	vadd.f32 v32, v11;
	s25 =	sand.u32 $0x380, s25;
	v21 =	vadd.s32 v29, v21;
	v32 =	vmul.u32 v29, v29  }
0x88: {  	s22 =	sadd.s32 $0x400, s22;
	v33 =	vnsel vm2, $0x0, v26;
	vm2 =	veq.s32 v29, $0x2;
	s25 =	sor.u32 s25, s26;
	v13 =	vadd.f32 v24, v13  }
0x89: {  	vm6 =	veq.s32 v29, $0x1;
	v11 =	vadd.f32 v28, v11;
	v24 =	vmul.f32 v30, v30;
	v34 =	vld [tilespmem:s25+$0xF050]  }
0x8a: {  	v12 =	vadd.f32 v33, v12;
	s26 =	sand.u32 $0x3, s24;
	v29 =	vnsel vm5, $0x0, v31;
	v30 =	vnsel vm4, $0x0, v31;
	v28 =	vld [tilespmem:s25+$0xF040]  }
0x8b: {  	v26 =	vnsel vm1, $0x0, v26;
	v22 =	vsub.f32 v22, v23;
	s26 =	sshll.u32 s26, $0xA;
	v23 =	vnsel vm6, $0x0, v24;
	v31 =	vld [tilespmem:s25+$0xF000]  }
0x8c: {  	v25 =	vmul.f32 v25, v25;
	v20 =	vnsel vm0, $0x0, v20;
	s26 =	sadd.s32 s26, s21;
	v24 =	vnsel vm2, $0x0, v24;
	v33 =	vld [tilespmem:s25+$0xC040]  }
0x8d: {  	vm0 =	veq.s32 v18, $0x1;
	vm1 =	veq.s32 v16, $0x1;
	v9 =	vadd.f32 v26, v9;
	s28 =	sor.u32 $0x60, s26;
	s26 =	sor.u32 $0x70, s26;
	v35 =	vld [tilespmem:s25+$0xC050]  }
0x8e: {  	v18 =	vnsel vm0, $0x0, v25;
	v22 =	vmul.f32 v22, v22;
	v12 =	vadd.f32 v23, v12;
	v26 =	vld [tilespmem:s25+$0xC000]  }
0x8f: {  	v8 =	vadd.f32 v18, v8;
	v23 =	vnsel vm3, $0x0, v25;
	v9 =	vadd.f32 v24, v9;
	v36 =	vld [tilespmem:s25+$0xC030]  }
0x90: {  	v25 =	vnsel vm1, $0x0, v22;
	v0 =	vadd.s32 v0, v31;
	v18 =	vmul.u32 v31, v31;
	v24 =	vld [tilespmem:s25+$0xF030]  }
0x91: {  	v8 =	vadd.f32 v25, v8;
	v38 =	vmul.u32 v28, v28;
	v37 =	vld [tilespmem:s25+$0x9040];
	v0 =	vadd.s32 v28, v0  }
0x92: {  	vm5 =	veq.s32 v16, $0x2;
	vm3 =	veq.s32 v28, $0x2;
	v2 =	vadd.s32 v2, v18;
	v25 =	vld [tilespmem:s25+$0xC010]  }
0x93: {  	v3 =	vadd.f32 v30, v3;
	vm0 =	veq.s32 v34, $0x2;
	vm4 =	veq.s32 v28, $0x1;
	v39 =	vld [tilespmem:s25+$0xC020]  }
0x94: {  	v6 =	vadd.s32 v6, v14;
	vm6 =	veq.s32 v31, $0x2;
	vm7 =	veq.s32 v31, $0x1;
	v16 =	vld [tilespmem:s25+$0x9000]  }
0x95: {  	v10 =	vadd.f32 v29, v10;
	v1 =	vadd.s32 v32, v1;
	v28 =	vld [tilespmem:s25+$0x9030];
	v14 =	vmul.u32 v24, v24  }
0x96: {  	v3 =	vadd.f32 v19, v3;
	v2 =	vadd.s32 v38, v2;
	vm2 =	veq.s32 v24, $0x1;
	v29 =	vld [tilespmem:s25+$0x9050]  }
0x97: {  	v7 =	vadd.f32 v23, v7;
	v19 =	vld [tilespmem:s25+$0xF010];
	v1 =	vadd.s32 v1, v14;
	v14 =	vsub.f32 v37, v33  }
0x98: {  	v22 =	vnsel vm5, $0x0, v22;
	vm1 =	veq.s32 v24, $0x2;
	v21 =	vadd.s32 v21, v24;
	v18 =	vld [tilespmem:s25+$0xF020]  }
0x99: {  	v6 =	vadd.s32 v15, v6;
	v10 =	vadd.f32 v20, v10;
	v30 =	vmul.f32 v14, v14;
	v32 =	vld [tilespmem:s26+$0x9000]  }
0x9a: {  	v7 =	vadd.f32 v22, v7;
	v26 =	vsub.f32 v16, v26;
	v15 =	vld [tilespmem:s25+$0x9010]  }
0x9b: {  	v5 =	vadd.s32 v17, v5;
	vm8 =	veq.s32 v34, $0x1;
	v16 =	vld [tilespmem:s28+$0xF000]  }
0x9c: {  	v17 =	vsub.f32 v29, v35;
	v4 =	vadd.s32 v4, v19;
	v14 =	vmul.u32 v19, v19;
	v33 =	vld [tilespmem:s26+$0xC000]  }
0x9d: {  	v24 =	vnsel vm4, $0x0, v30;
	v35 =	vld [tilespmem:s25+$0x9020];
	v27 =	vadd.s32 v27, v18;
	v23 =	vmul.u32 v18, v18  }
0x9e: {  	vm4 =	veq.s32 v19, $0x1;
	v20 =	vmul.f32 v17, v17;
	v4 =	vadd.s32 v34, v4;
	v22 =	vld [tilespmem:s28+$0x9000]  }
.Ltmp1:
0x9f: {  	v31 =	vsub.f32 v15, v25;
	v5 =	vadd.s32 v5, v23;
	v15 =	vmul.u32 v34, v34;
	v23 =	vld [tilespmem:s28+$0xC000];
	(pc) =	sbr.rel @p0 .LBB2_4-.Ltmp1, $4  }
0xa0: {  	vm5 =	veq.s32 v19, $0x2;
	v17 =	vsub.f32 v28, v36;
	v28 =	vnsel vm3, $0x0, v30;
	v29 =	vld [tilespmem:s26+$0xF000]  }
0xa1: {  	v19 =	vmul.f32 v26, v26;
	vm3 =	veq.s32 v18, $0x2;
	v30 =	vsub.f32 v32, v33  }
0xa2: {  	v26 =	vmul.f32 v17, v17;
	v17 =	vmul.u32 v16, v16;
	v25 =	vsub.f32 v35, v39  }
0xa3: {  	s23 =	sadd.s32 $0x20, s23;
	v32 =	vnsel vm6, $0x0, v19;
	v33 =	vnsel vm7, $0x0, v19;
	v19 =	vnsel vm8, $0x0, v20  }
0xa4: {  	v13 =	vadd.f32 v33, v13;
	v31 =	vmul.f32 v31, v31  }
0xa5: {  	v27 =	vadd.s32 v16, v27;
	v11 =	vadd.f32 v32, v11;
	v55 =	vnsel vm2, $0x0, v26  }
0xa6: {  	v56 =	vmul.f32 v30, v30;
	v59 =	vnsel vm1, $0x0, v26;
	v22 =	vsub.f32 v22, v23  }
0xa7: {  	v25 =	vmul.f32 v25, v25;
	v20 =	vnsel vm0, $0x0, v20;
	vm13 =	veq.s32 v18, $0x1  }
0xa8: {  	vm14 =	veq.s32 v16, $0x1;
	vm15 =	veq.s32 v16, $0x2;
	v6 =	vadd.s32 v6, v14  }
0xa9: {  	v5 =	vadd.s32 v17, v5;
	v0 =	vadd.s32 v0, v4;
	v21 =	vadd.s32 v29, v21  }
0xaa: {  	v54 =	vmul.u32 v29, v29;
	vm12 =	veq.s32 v29, $0x2;
	vm6 =	veq.s32 v29, $0x1  }
0xab: {  	v12 =	vadd.f32 v55, v12;
	v9 =	vadd.f32 v59, v9;
	v6 =	vadd.s32 v15, v6  }
0xac: {  	v0 =	vadd.s32 v27, v0;
	v13 =	vadd.f32 v24, v13;
	v11 =	vadd.f32 v28, v11  }
0xad: {  	v57 =	vnsel vm5, $0x0, v31;
	v58 =	vnsel vm4, $0x0, v31;
	v60 =	vnsel vm6, $0x0, v56  }
0xae: {  	v24 =	vnsel vm12, $0x0, v56;
	v18 =	vnsel vm13, $0x0, v25;
	v22 =	vmul.f32 v22, v22  }
0xaf: {  	v61 =	vnsel vm3, $0x0, v25;
	v10 =	vadd.f32 v57, v10;
	v8 =	vadd.f32 v18, v8  }
0xb0: {  	v2 =	vadd.s32 v2, v6;
	v3 =	vadd.f32 v58, v3;
	v7 =	vadd.f32 v61, v7  }
0xb1: {  	v0 =	vadd.s32 v21, v0;
	v9 =	vadd.f32 v24, v9;
	v10 =	vadd.f32 v20, v10  }
0xb2: {  	v1 =	vadd.s32 v54, v1;
	v16 =	vnsel vm15, $0x0, v22;
	v3 =	vadd.f32 v19, v3  }
0xb3: {  	v62 =	vnsel vm14, $0x0, v22;
	v7 =	vadd.f32 v16, v7;
	v10 =	vadd.f32 v10, v11  }
0xb4: {  	v2 =	vadd.s32 v5, v2;
	v8 =	vadd.f32 v62, v8;
	v3 =	vadd.f32 v3, v13  }
0xb5: {  	v0 =	vcvt.s32.f32 v0;
	v1 =	vadd.s32 v1, v2;
	v7 =	vadd.f32 v7, v10  }
0xb6: {  	v12 =	vadd.f32 v60, v12;
	v1 =	vcvt.s32.f32 v1;
	v3 =	vadd.f32 v8, v3  }
0xb7: {  	[tilespmem:$0x12100] =	vst v0;
	v63 =	vadd.f32 v9, v7  }
0xb8: {  	s20 =	sadd.s32 $0x1, s20;
	[tilespmem:$0x12180] =	vst v1;
	v3 =	vadd.f32 v12, v3  }
0xb9: {  	p0 =	sne.s32 s20, s10;
	[tilespmem:$0x12000] =	vst v63  }
.Ltmp2:
0xba: {  	[tilespmem:$0x12080] =	vst v3;
	(pc) =	sbr.rel @p0 .LBB2_1-.Ltmp2, $4  }
0xbb: {  	[hbm4b:s9+s2] =	stream.linear.scatter [tilespmem:s18], [sflag:$0x3], $0x200, $0x38;
	[tilespmem:$0x12200] =	vst v63  }
0xbc: {  	_ =	swait.ge [sflag:s19], $0x200  }
0xbd: {  	[sflag:s19] =	ssyncset.done $0x0  }
0xbe: {  	[sflag:s19] =	ssyncadd.s32 $0xFFFFFE00  }
0xbf: {  	_ =	sfence.sel $0x180000  }
0xc0: {  	[bflag:$0x0] =	sbarrier.arrive $0xFFFF  }
0xc1: {  	p0 =	sne.s32 s0, $0x0;
	_ =	strace $0x90000047  }
0xc2: {  	s0 =	sadd.s32 @!p0 $0x100000, s1;
	[bflag:$0x2] =	sbarrier.arrive $0xFFFF  }
0xc3: {  	[sflag:s0] =	ssyncadd.tile.s32 @!p0 $0x1;
	_ =	shalt  }
.Lfunc_end2:
_tile_overlayer_lowered:
.L_overlay_start_2:
0xc4: {  	(tag) =	ssettag $0x2  }
0xc5: {  	s0 =	rddreg [dreg:$0x0];
	s2 =	stileid.u32  }
0xc6: {  	s1 =	rddreg [dreg:$0x1];
	p0 =	sne.s32 s2, $0x0  }
0xc7: {  	s3 =	rddreg [dreg:$0x2];
	[bflag:$0x3] =	sbarrier.arrive $0xFFFF;
	s2 =	simm.s32 @!p0 $0x1C03  }
0xc8: {  	[timem:s3], [sflag:s2] =	dma.local @!p0 [hbm:s0], s1  }
0xc9: {  	s0 =	simm.s32 @!p0 $0x3  }
0xca: {  	_ =	swait.ge @!p0 [sflag:s0], s1  }
0xcb: {  	s1 =	ssub.s32 @!p0 $0x0, s1;
	[sflag:s0] =	ssyncset.done @!p0 $0x0  }
0xcc: {  	[sflag:s0] =	ssyncadd.s32 @!p0 s1  }
0xcd: {  	[bflag:$0x3] =	sbarrier.arrive $0xFFFF  }
0xce: {  	_ =	shalt  }

</sc_bundles>
